<compile_context>
chip_gen: v7x
topology: tpu7x:2x2x1
jax: 0.10.2.dev20260603
libtpu: 0.0.44.dev20260713+nightly
codegen_flags: <defaults>
</compile_context>

<pallas_src>
import functools

import jax
import jax.numpy as jnp
from jax import lax
from jax.experimental import pallas as pl
from jax.experimental.pallas import tpu as pltpu
from jax.experimental.pallas import tpu_sc as plsc

_NUM_CORES = 2
_NUM_SUBCORES = 16
_NUM_WORKERS = _NUM_CORES * _NUM_SUBCORES

_REP = 8
_BB = 256


def kernel(sequence, table):
    batch, seq = sequence.shape
    max_len, hidden = table.shape
    row = seq * hidden
    half = batch // 2
    b_per_w = half // _NUM_WORKERS
    n_out_dma = b_per_w // _REP
    chunk = row // _NUM_WORKERS

    tab_flat = table.reshape(-1)

    @functools.partial(
        pl.kernel,
        mesh=plsc.VectorSubcoreMesh(core_axis_name="c", subcore_axis_name="s"),
        out_type=jax.ShapeDtypeStruct((row,), jnp.float32),
        scratch_types=[
            pltpu.VMEM((chunk,), jnp.float32),
            pltpu.SemaphoreType.DMA,
        ],
    )
    def sc_lookup(tab_hbm, out_hbm, vbuf, sem):
        wid = lax.axis_index("s") * _NUM_CORES + lax.axis_index("c")
        off = wid * chunk
        pltpu.async_copy(tab_hbm.at[pl.ds(off, chunk)], vbuf, sem).wait()
        pltpu.async_copy(vbuf, out_hbm.at[pl.ds(off, chunk)], sem).wait()

    @functools.partial(
        pl.kernel,
        mesh=plsc.VectorSubcoreMesh(core_axis_name="c", subcore_axis_name="s"),
        out_type=jax.ShapeDtypeStruct((half, row), jnp.float32),
        scratch_types=[
            pltpu.VMEM((_REP, row), jnp.float32),
            pltpu.SemaphoreType.DMA,
        ],
    )
    def sc_bcast(tab_hbm, out_hbm, buf, sem):
        wid = lax.axis_index("s") * _NUM_CORES + lax.axis_index("c")
        base = wid * b_per_w
        fills = [
            pltpu.async_copy(tab_hbm.at[pl.ds(0, row)], buf.at[r], sem)
            for r in range(_REP)
        ]
        for f in fills:
            f.wait()
        outs = [
            pltpu.async_copy(buf, out_hbm.at[pl.ds(base + i * _REP, _REP)], sem)
            for i in range(n_out_dma)
        ]
        for o in outs:
            o.wait()

    sc_half = sc_bcast(tab_flat)
    stage = sc_lookup(tab_flat).reshape(1, row)

    def body(s_ref, o_ref):
        o_ref[...] = jnp.broadcast_to(s_ref[...], (_BB, row))

    tc_half = pl.pallas_call(
        body,
        grid=(half // _BB,),
        in_specs=[pl.BlockSpec((1, row), lambda i: (0, 0))],
        out_specs=pl.BlockSpec((_BB, row), lambda i: (i, 0)),
        out_shape=jax.ShapeDtypeStruct((half, row), jnp.float32),
    )(stage)

    return jnp.concatenate(
        [
            tc_half.reshape(half, seq, hidden),
            sc_half.reshape(half, seq, hidden),
        ],
        axis=0,
    )

# --- scband reference (transcript-rebuilt; emitter-appended) ---
"""Pipeline reference for scband-positional-embedding-73100343377941 (READ-ONLY COPY).

The authoritative reference and input builder live on the scoring server;
editing this copy changes nothing except your own understanding.
"""

import jax, jax.numpy as jnp
import numpy as np

MAX_LEN = 2048
HIDDEN = 64
BATCH = 4096
SEQ = 200

def setup_inputs(seed: int = 0) -> dict:
    key = jax.random.key(seed)
    k1, k2 = jax.random.split(key)
    sequence = jax.random.randint(k1, (BATCH, SEQ), 0, 1000, dtype=jnp.int32)
    table = jax.random.normal(k2, (MAX_LEN, HIDDEN), dtype=jnp.float32)
    return {"sequence": sequence, "table": table}

def reference(sequence, table):
    # Faithful translation of PositionalEmbedding.forward for dim > 1 input:
    # positions = arange(seq_len) broadcast to [batch, seq_len], then embedding lookup.
    batch_size, seq_len = sequence.shape
    positions = jnp.tile(jnp.arange(seq_len, dtype=jnp.int32)[None, :], (batch_size, 1))
    return jnp.take(table, positions, axis=0)

if __name__ == "__main__":
    import jax
    _d = setup_inputs()
    print(jax.jit(kernel)(*tuple(_d.values())))

</pallas_src>

<mosaic_0001>
#map = affine_map<(d0, d1) -> (0)>
module attributes {stable_mosaic.version = 14 : i64} {
  func.func @sc_lookup(%arg0: i32, %arg1: i32, %arg2: memref<131072xf32, #tpu.memory_space<hbm>>, %arg3: memref<12800xf32, #tpu.memory_space<hbm>>, %arg4: memref<400xf32, #tpu.memory_space<vmem>>, %arg5: memref<!tpu.dma_semaphore, #tpu.memory_space<semaphore_mem>>) attributes {dimension_semantics = [#tpu.dimension_semantics<core_parallel>, #tpu.dimension_semantics<subcore_parallel>], iteration_bounds = array<i64: 2, 16>, scalar_prefetch = 0 : i64, scratch_operands = 2 : i64, tpu.core_type = #tpu.core_type<sc_vector_subcore>, window_params = [{transform_indices = #map}, {transform_indices = #map}]} {
    %mul3A = arith.constant 2 : i32
    %mul3A_0 = arith.muli %arg1, %mul3A : i32
    %add3A = arith.addi %mul3A_0, %arg0 : i32
    %mul3A_1 = arith.constant 400 : i32
    %mul3A_2 = arith.muli %add3A, %mul3A_1 : i32
    %dma_start3A = tpu.memref_slice %arg2[%mul3A_2] : memref<131072xf32, #tpu.memory_space<hbm>> -> memref<400xf32, #tpu.memory_space<hbm>>
    %dma_start3A_3 = tpu.memref_slice %arg2[%mul3A_2] : memref<131072xf32, #tpu.memory_space<hbm>> -> memref<400xf32, #tpu.memory_space<hbm>>
    tpu.enqueue_dma source(%dma_start3A_3 : memref<400xf32, #tpu.memory_space<hbm>>) target(%arg4 : memref<400xf32, #tpu.memory_space<vmem>>) target_semaphore(%arg5 : memref<!tpu.dma_semaphore, #tpu.memory_space<semaphore_mem>>)
    %dma_wait3A = tpu.memref_slice %arg2[%mul3A_2] : memref<131072xf32, #tpu.memory_space<hbm>> -> memref<400xf32, #tpu.memory_space<hbm>>
    %dma_wait3A_4 = tpu.memref_slice %arg2[%mul3A_2] : memref<131072xf32, #tpu.memory_space<hbm>> -> memref<400xf32, #tpu.memory_space<hbm>>
    tpu.wait_dma2 semaphore(%arg5 : memref<!tpu.dma_semaphore, #tpu.memory_space<semaphore_mem>>) src(%dma_wait3A_4 : memref<400xf32, #tpu.memory_space<hbm>>) dst(%arg4 : memref<400xf32, #tpu.memory_space<vmem>>)
    %dma_start3A_5 = tpu.memref_slice %arg3[%mul3A_2] : memref<12800xf32, #tpu.memory_space<hbm>> -> memref<400xf32, #tpu.memory_space<hbm>>
    %dma_start3A_6 = tpu.memref_slice %arg3[%mul3A_2] : memref<12800xf32, #tpu.memory_space<hbm>> -> memref<400xf32, #tpu.memory_space<hbm>>
    tpu.enqueue_dma source(%arg4 : memref<400xf32, #tpu.memory_space<vmem>>) target(%dma_start3A_6 : memref<400xf32, #tpu.memory_space<hbm>>) target_semaphore(%arg5 : memref<!tpu.dma_semaphore, #tpu.memory_space<semaphore_mem>>)
    %dma_wait3A_7 = tpu.memref_slice %arg3[%mul3A_2] : memref<12800xf32, #tpu.memory_space<hbm>> -> memref<400xf32, #tpu.memory_space<hbm>>
    %dma_wait3A_8 = tpu.memref_slice %arg3[%mul3A_2] : memref<12800xf32, #tpu.memory_space<hbm>> -> memref<400xf32, #tpu.memory_space<hbm>>
    tpu.wait_dma2 semaphore(%arg5 : memref<!tpu.dma_semaphore, #tpu.memory_space<semaphore_mem>>) src(%arg4 : memref<400xf32, #tpu.memory_space<vmem>>) dst(%dma_wait3A_8 : memref<400xf32, #tpu.memory_space<hbm>>)
    return
  }
}

#map = affine_map<(d0, d1) -> (0)>
#map1 = affine_map<(d0, d1) -> (0, 0)>
module attributes {stable_mosaic.version = 14 : i64} {
  func.func @sc_bcast(%arg0: i32, %arg1: i32, %arg2: memref<131072xf32, #tpu.memory_space<hbm>>, %arg3: memref<2048x12800xf32, #tpu.memory_space<hbm>>, %arg4: memref<8x12800xf32, #tpu.memory_space<vmem>>, %arg5: memref<!tpu.dma_semaphore, #tpu.memory_space<semaphore_mem>>) attributes {dimension_semantics = [#tpu.dimension_semantics<core_parallel>, #tpu.dimension_semantics<subcore_parallel>], iteration_bounds = array<i64: 2, 16>, scalar_prefetch = 0 : i64, scratch_operands = 2 : i64, tpu.core_type = #tpu.core_type<sc_vector_subcore>, window_params = [{transform_indices = #map}, {transform_indices = #map1}]} {
    %mul3A = arith.constant 2 : i32
    %mul3A_0 = arith.muli %arg1, %mul3A : i32
    %add3A = arith.addi %mul3A_0, %arg0 : i32
    %mul3A_1 = arith.constant 64 : i32
    %mul3A_2 = arith.muli %add3A, %mul3A_1 : i32
    %dma_start3A = arith.constant 0 : i32
    %dma_start3A_3 = arith.constant 0 : i32
    %dma_start3A_4 = tpu.memref_slice %arg4[%dma_start3A, %dma_start3A_3] : memref<8x12800xf32, #tpu.memory_space<vmem>> -> memref<1x12800xf32, #tpu.memory_space<vmem>>
    %dma_start3A_5 = tpu.memref_squeeze %dma_start3A_4 : memref<1x12800xf32, #tpu.memory_space<vmem>> -> memref<12800xf32, #tpu.memory_space<vmem>>
    %dma_start3A_6 = arith.constant 0 : i32
    %dma_start3A_7 = tpu.memref_slice %arg2[%dma_start3A_6] : memref<131072xf32, #tpu.memory_space<hbm>> -> memref<12800xf32, #tpu.memory_space<hbm>>
    %dma_start3A_8 = arith.constant 0 : i32
    %dma_start3A_9 = tpu.memref_slice %arg4[%dma_start3A, %dma_start3A_8] : memref<8x12800xf32, #tpu.memory_space<vmem>> -> memref<1x12800xf32, #tpu.memory_space<vmem>>
    %dma_start3A_10 = tpu.memref_squeeze %dma_start3A_9 : memref<1x12800xf32, #tpu.memory_space<vmem>> -> memref<12800xf32, #tpu.memory_space<vmem>>
    %dma_start3A_11 = arith.constant 0 : i32
    %dma_start3A_12 = tpu.memref_slice %arg2[%dma_start3A_11] : memref<131072xf32, #tpu.memory_space<hbm>> -> memref<12800xf32, #tpu.memory_space<hbm>>
    tpu.enqueue_dma source(%dma_start3A_12 : memref<12800xf32, #tpu.memory_space<hbm>>) target(%dma_start3A_10 : memref<12800xf32, #tpu.memory_space<vmem>>) target_semaphore(%arg5 : memref<!tpu.dma_semaphore, #tpu.memory_space<semaphore_mem>>)
    %dma_start3A_13 = arith.constant 1 : i32
    %dma_start3A_14 = arith.constant 0 : i32
    %dma_start3A_15 = tpu.memref_slice %arg4[%dma_start3A_13, %dma_start3A_14] : memref<8x12800xf32, #tpu.memory_space<vmem>> -> memref<1x12800xf32, #tpu.memory_space<vmem>>
    %dma_start3A_16 = tpu.memref_squeeze %dma_start3A_15 : memref<1x12800xf32, #tpu.memory_space<vmem>> -> memref<12800xf32, #tpu.memory_space<vmem>>
    %dma_start3A_17 = arith.constant 0 : i32
    %dma_start3A_18 = tpu.memref_slice %arg2[%dma_start3A_17] : memref<131072xf32, #tpu.memory_space<hbm>> -> memref<12800xf32, #tpu.memory_space<hbm>>
    %dma_start3A_19 = arith.constant 0 : i32
    %dma_start3A_20 = tpu.memref_slice %arg4[%dma_start3A_13, %dma_start3A_19] : memref<8x12800xf32, #tpu.memory_space<vmem>> -> memref<1x12800xf32, #tpu.memory_space<vmem>>
    %dma_start3A_21 = tpu.memref_squeeze %dma_start3A_20 : memref<1x12800xf32, #tpu.memory_space<vmem>> -> memref<12800xf32, #tpu.memory_space<vmem>>
    %dma_start3A_22 = arith.constant 0 : i32
    %dma_start3A_23 = tpu.memref_slice %arg2[%dma_start3A_22] : memref<131072xf32, #tpu.memory_space<hbm>> -> memref<12800xf32, #tpu.memory_space<hbm>>
    tpu.enqueue_dma source(%dma_start3A_23 : memref<12800xf32, #tpu.memory_space<hbm>>) target(%dma_start3A_21 : memref<12800xf32, #tpu.memory_space<vmem>>) target_semaphore(%arg5 : memref<!tpu.dma_semaphore, #tpu.memory_space<semaphore_mem>>)
    %dma_start3A_24 = arith.constant 2 : i32
    %dma_start3A_25 = arith.constant 0 : i32
    %dma_start3A_26 = tpu.memref_slice %arg4[%dma_start3A_24, %dma_start3A_25] : memref<8x12800xf32, #tpu.memory_space<vmem>> -> memref<1x12800xf32, #tpu.memory_space<vmem>>
    %dma_start3A_27 = tpu.memref_squeeze %dma_start3A_26 : memref<1x12800xf32, #tpu.memory_space<vmem>> -> memref<12800xf32, #tpu.memory_space<vmem>>
    %dma_start3A_28 = arith.constant 0 : i32
    %dma_start3A_29 = tpu.memref_slice %arg2[%dma_start3A_28] : memref<131072xf32, #tpu.memory_space<hbm>> -> memref<12800xf32, #tpu.memory_space<hbm>>
    %dma_start3A_30 = arith.constant 0 : i32
    %dma_start3A_31 = tpu.memref_slice %arg4[%dma_start3A_24, %dma_start3A_30] : memref<8x12800xf32, #tpu.memory_space<vmem>> -> memref<1x12800xf32, #tpu.memory_space<vmem>>
    %dma_start3A_32 = tpu.memref_squeeze %dma_start3A_31 : memref<1x12800xf32, #tpu.memory_space<vmem>> -> memref<12800xf32, #tpu.memory_space<vmem>>
    %dma_start3A_33 = arith.constant 0 : i32
    %dma_start3A_34 = tpu.memref_slice %arg2[%dma_start3A_33] : memref<131072xf32, #tpu.memory_space<hbm>> -> memref<12800xf32, #tpu.memory_space<hbm>>
    tpu.enqueue_dma source(%dma_start3A_34 : memref<12800xf32, #tpu.memory_space<hbm>>) target(%dma_start3A_32 : memref<12800xf32, #tpu.memory_space<vmem>>) target_semaphore(%arg5 : memref<!tpu.dma_semaphore, #tpu.memory_space<semaphore_mem>>)
    %dma_start3A_35 = arith.constant 3 : i32
    %dma_start3A_36 = arith.constant 0 : i32
    %dma_start3A_37 = tpu.memref_slice %arg4[%dma_start3A_35, %dma_start3A_36] : memref<8x12800xf32, #tpu.memory_space<vmem>> -> memref<1x12800xf32, #tpu.memory_space<vmem>>
    %dma_start3A_38 = tpu.memref_squeeze %dma_start3A_37 : memref<1x12800xf32, #tpu.memory_space<vmem>> -> memref<12800xf32, #tpu.memory_space<vmem>>
    %dma_start3A_39 = arith.constant 0 : i32
    %dma_start3A_40 = tpu.memref_slice %arg2[%dma_start3A_39] : memref<131072xf32, #tpu.memory_space<hbm>> -> memref<12800xf32, #tpu.memory_space<hbm>>
    %dma_start3A_41 = arith.constant 0 : i32
    %dma_start3A_42 = tpu.memref_slice %arg4[%dma_start3A_35, %dma_start3A_41] : memref<8x12800xf32, #tpu.memory_space<vmem>> -> memref<1x12800xf32, #tpu.memory_space<vmem>>
    %dma_start3A_43 = tpu.memref_squeeze %dma_start3A_42 : memref<1x12800xf32, #tpu.memory_space<vmem>> -> memref<12800xf32, #tpu.memory_space<vmem>>
    %dma_start3A_44 = arith.constant 0 : i32
    %dma_start3A_45 = tpu.memref_slice %arg2[%dma_start3A_44] : memref<131072xf32, #tpu.memory_space<hbm>> -> memref<12800xf32, #tpu.memory_space<hbm>>
    tpu.enqueue_dma source(%dma_start3A_45 : memref<12800xf32, #tpu.memory_space<hbm>>) target(%dma_start3A_43 : memref<12800xf32, #tpu.memory_space<vmem>>) target_semaphore(%arg5 : memref<!tpu.dma_semaphore, #tpu.memory_space<semaphore_mem>>)
    %dma_start3A_46 = arith.constant 4 : i32
    %dma_start3A_47 = arith.constant 0 : i32
    %dma_start3A_48 = tpu.memref_slice %arg4[%dma_start3A_46, %dma_start3A_47] : memref<8x12800xf32, #tpu.memory_space<vmem>> -> memref<1x12800xf32, #tpu.memory_space<vmem>>
    %dma_start3A_49 = tpu.memref_squeeze %dma_start3A_48 : memref<1x12800xf32, #tpu.memory_space<vmem>> -> memref<12800xf32, #tpu.memory_space<vmem>>
    %dma_start3A_50 = arith.constant 0 : i32
    %dma_start3A_51 = tpu.memref_slice %arg2[%dma_start3A_50] : memref<131072xf32, #tpu.memory_space<hbm>> -> memref<12800xf32, #tpu.memory_space<hbm>>
    %dma_start3A_52 = arith.constant 0 : i32
    %dma_start3A_53 = tpu.memref_slice %arg4[%dma_start3A_46, %dma_start3A_52] : memref<8x12800xf32, #tpu.memory_space<vmem>> -> memref<1x12800xf32, #tpu.memory_space<vmem>>
    %dma_start3A_54 = tpu.memref_squeeze %dma_start3A_53 : memref<1x12800xf32, #tpu.memory_space<vmem>> -> memref<12800xf32, #tpu.memory_space<vmem>>
    %dma_start3A_55 = arith.constant 0 : i32
    %dma_start3A_56 = tpu.memref_slice %arg2[%dma_start3A_55] : memref<131072xf32, #tpu.memory_space<hbm>> -> memref<12800xf32, #tpu.memory_space<hbm>>
    tpu.enqueue_dma source(%dma_start3A_56 : memref<12800xf32, #tpu.memory_space<hbm>>) target(%dma_start3A_54 : memref<12800xf32, #tpu.memory_space<vmem>>) target_semaphore(%arg5 : memref<!tpu.dma_semaphore, #tpu.memory_space<semaphore_mem>>)
    %dma_start3A_57 = arith.constant 5 : i32
    %dma_start3A_58 = arith.constant 0 : i32
    %dma_start3A_59 = tpu.memref_slice %arg4[%dma_start3A_57, %dma_start3A_58] : memref<8x12800xf32, #tpu.memory_space<vmem>> -> memref<1x12800xf32, #tpu.memory_space<vmem>>
    %dma_start3A_60 = tpu.memref_squeeze %dma_start3A_59 : memref<1x12800xf32, #tpu.memory_space<vmem>> -> memref<12800xf32, #tpu.memory_space<vmem>>
    %dma_start3A_61 = arith.constant 0 : i32
    %dma_start3A_62 = tpu.memref_slice %arg2[%dma_start3A_61] : memref<131072xf32, #tpu.memory_space<hbm>> -> memref<12800xf32, #tpu.memory_space<hbm>>
    %dma_start3A_63 = arith.constant 0 : i32
    %dma_start3A_64 = tpu.memref_slice %arg4[%dma_start3A_57, %dma_start3A_63] : memref<8x12800xf32, #tpu.memory_space<vmem>> -> memref<1x12800xf32, #tpu.memory_space<vmem>>
    %dma_start3A_65 = tpu.memref_squeeze %dma_start3A_64 : memref<1x12800xf32, #tpu.memory_space<vmem>> -> memref<12800xf32, #tpu.memory_space<vmem>>
    %dma_start3A_66 = arith.constant 0 : i32
    %dma_start3A_67 = tpu.memref_slice %arg2[%dma_start3A_66] : memref<131072xf32, #tpu.memory_space<hbm>> -> memref<12800xf32, #tpu.memory_space<hbm>>
    tpu.enqueue_dma source(%dma_start3A_67 : memref<12800xf32, #tpu.memory_space<hbm>>) target(%dma_start3A_65 : memref<12800xf32, #tpu.memory_space<vmem>>) target_semaphore(%arg5 : memref<!tpu.dma_semaphore, #tpu.memory_space<semaphore_mem>>)
    %dma_start3A_68 = arith.constant 6 : i32
    %dma_start3A_69 = arith.constant 0 : i32
    %dma_start3A_70 = tpu.memref_slice %arg4[%dma_start3A_68, %dma_start3A_69] : memref<8x12800xf32, #tpu.memory_space<vmem>> -> memref<1x12800xf32, #tpu.memory_space<vmem>>
    %dma_start3A_71 = tpu.memref_squeeze %dma_start3A_70 : memref<1x12800xf32, #tpu.memory_space<vmem>> -> memref<12800xf32, #tpu.memory_space<vmem>>
    %dma_start3A_72 = arith.constant 0 : i32
    %dma_start3A_73 = tpu.memref_slice %arg2[%dma_start3A_72] : memref<131072xf32, #tpu.memory_space<hbm>> -> memref<12800xf32, #tpu.memory_space<hbm>>
    %dma_start3A_74 = arith.constant 0 : i32
    %dma_start3A_75 = tpu.memref_slice %arg4[%dma_start3A_68, %dma_start3A_74] : memref<8x12800xf32, #tpu.memory_space<vmem>> -> memref<1x12800xf32, #tpu.memory_space<vmem>>
    %dma_start3A_76 = tpu.memref_squeeze %dma_start3A_75 : memref<1x12800xf32, #tpu.memory_space<vmem>> -> memref<12800xf32, #tpu.memory_space<vmem>>
    %dma_start3A_77 = arith.constant 0 : i32
    %dma_start3A_78 = tpu.memref_slice %arg2[%dma_start3A_77] : memref<131072xf32, #tpu.memory_space<hbm>> -> memref<12800xf32, #tpu.memory_space<hbm>>
    tpu.enqueue_dma source(%dma_start3A_78 : memref<12800xf32, #tpu.memory_space<hbm>>) target(%dma_start3A_76 : memref<12800xf32, #tpu.memory_space<vmem>>) target_semaphore(%arg5 : memref<!tpu.dma_semaphore, #tpu.memory_space<semaphore_mem>>)
    %dma_start3A_79 = arith.constant 7 : i32
    %dma_start3A_80 = arith.constant 0 : i32
    %dma_start3A_81 = tpu.memref_slice %arg4[%dma_start3A_79, %dma_start3A_80] : memref<8x12800xf32, #tpu.memory_space<vmem>> -> memref<1x12800xf32, #tpu.memory_space<vmem>>
    %dma_start3A_82 = tpu.memref_squeeze %dma_start3A_81 : memref<1x12800xf32, #tpu.memory_space<vmem>> -> memref<12800xf32, #tpu.memory_space<vmem>>
    %dma_start3A_83 = arith.constant 0 : i32
    %dma_start3A_84 = tpu.memref_slice %arg2[%dma_start3A_83] : memref<131072xf32, #tpu.memory_space<hbm>> -> memref<12800xf32, #tpu.memory_space<hbm>>
    %dma_start3A_85 = arith.constant 0 : i32
    %dma_start3A_86 = tpu.memref_slice %arg4[%dma_start3A_79, %dma_start3A_85] : memref<8x12800xf32, #tpu.memory_space<vmem>> -> memref<1x12800xf32, #tpu.memory_space<vmem>>
    %dma_start3A_87 = tpu.memref_squeeze %dma_start3A_86 : memref<1x12800xf32, #tpu.memory_space<vmem>> -> memref<12800xf32, #tpu.memory_space<vmem>>
    %dma_start3A_88 = arith.constant 0 : i32
    %dma_start3A_89 = tpu.memref_slice %arg2[%dma_start3A_88] : memref<131072xf32, #tpu.memory_space<hbm>> -> memref<12800xf32, #tpu.memory_space<hbm>>
    tpu.enqueue_dma source(%dma_start3A_89 : memref<12800xf32, #tpu.memory_space<hbm>>) target(%dma_start3A_87 : memref<12800xf32, #tpu.memory_space<vmem>>) target_semaphore(%arg5 : memref<!tpu.dma_semaphore, #tpu.memory_space<semaphore_mem>>)
    %dma_wait3A = arith.constant 0 : i32
    %dma_wait3A_90 = arith.constant 0 : i32
    %dma_wait3A_91 = tpu.memref_slice %arg4[%dma_wait3A, %dma_wait3A_90] : memref<8x12800xf32, #tpu.memory_space<vmem>> -> memref<1x12800xf32, #tpu.memory_space<vmem>>
    %dma_wait3A_92 = tpu.memref_squeeze %dma_wait3A_91 : memref<1x12800xf32, #tpu.memory_space<vmem>> -> memref<12800xf32, #tpu.memory_space<vmem>>
    %dma_wait3A_93 = arith.constant 0 : i32
    %dma_wait3A_94 = tpu.memref_slice %arg2[%dma_wait3A_93] : memref<131072xf32, #tpu.memory_space<hbm>> -> memref<12800xf32, #tpu.memory_space<hbm>>
    %dma_wait3A_95 = arith.constant 0 : i32
    %dma_wait3A_96 = tpu.memref_slice %arg4[%dma_wait3A, %dma_wait3A_95] : memref<8x12800xf32, #tpu.memory_space<vmem>> -> memref<1x12800xf32, #tpu.memory_space<vmem>>
    %dma_wait3A_97 = tpu.memref_squeeze %dma_wait3A_96 : memref<1x12800xf32, #tpu.memory_space<vmem>> -> memref<12800xf32, #tpu.memory_space<vmem>>
    %dma_wait3A_98 = arith.constant 0 : i32
    %dma_wait3A_99 = tpu.memref_slice %arg2[%dma_wait3A_98] : memref<131072xf32, #tpu.memory_space<hbm>> -> memref<12800xf32, #tpu.memory_space<hbm>>
    tpu.wait_dma2 semaphore(%arg5 : memref<!tpu.dma_semaphore, #tpu.memory_space<semaphore_mem>>) src(%dma_wait3A_99 : memref<12800xf32, #tpu.memory_space<hbm>>) dst(%dma_wait3A_97 : memref<12800xf32, #tpu.memory_space<vmem>>)
    %dma_wait3A_100 = arith.constant 1 : i32
    %dma_wait3A_101 = arith.constant 0 : i32
    %dma_wait3A_102 = tpu.memref_slice %arg4[%dma_wait3A_100, %dma_wait3A_101] : memref<8x12800xf32, #tpu.memory_space<vmem>> -> memref<1x12800xf32, #tpu.memory_space<vmem>>
    %dma_wait3A_103 = tpu.memref_squeeze %dma_wait3A_102 : memref<1x12800xf32, #tpu.memory_space<vmem>> -> memref<12800xf32, #tpu.memory_space<vmem>>
    %dma_wait3A_104 = arith.constant 0 : i32
    %dma_wait3A_105 = tpu.memref_slice %arg2[%dma_wait3A_104] : memref<131072xf32, #tpu.memory_space<hbm>> -> memref<12800xf32, #tpu.memory_space<hbm>>
    %dma_wait3A_106 = arith.constant 0 : i32
    %dma_wait3A_107 = tpu.memref_slice %arg4[%dma_wait3A_100, %dma_wait3A_106] : memref<8x12800xf32, #tpu.memory_space<vmem>> -> memref<1x12800xf32, #tpu.memory_space<vmem>>
    %dma_wait3A_108 = tpu.memref_squeeze %dma_wait3A_107 : memref<1x12800xf32, #tpu.memory_space<vmem>> -> memref<12800xf32, #tpu.memory_space<vmem>>
    %dma_wait3A_109 = arith.constant 0 : i32
    %dma_wait3A_110 = tpu.memref_slice %arg2[%dma_wait3A_109] : memref<131072xf32, #tpu.memory_space<hbm>> -> memref<12800xf32, #tpu.memory_space<hbm>>
    tpu.wait_dma2 semaphore(%arg5 : memref<!tpu.dma_semaphore, #tpu.memory_space<semaphore_mem>>) src(%dma_wait3A_110 : memref<12800xf32, #tpu.memory_space<hbm>>) dst(%dma_wait3A_108 : memref<12800xf32, #tpu.memory_space<vmem>>)
    %dma_wait3A_111 = arith.constant 2 : i32
    %dma_wait3A_112 = arith.constant 0 : i32
    %dma_wait3A_113 = tpu.memref_slice %arg4[%dma_wait3A_111, %dma_wait3A_112] : memref<8x12800xf32, #tpu.memory_space<vmem>> -> memref<1x12800xf32, #tpu.memory_space<vmem>>
    %dma_wait3A_114 = tpu.memref_squeeze %dma_wait3A_113 : memref<1x12800xf32, #tpu.memory_space<vmem>> -> memref<12800xf32, #tpu.memory_space<vmem>>
    %dma_wait3A_115 = arith.constant 0 : i32
    %dma_wait3A_116 = tpu.memref_slice %arg2[%dma_wait3A_115] : memref<131072xf32, #tpu.memory_space<hbm>> -> memref<12800xf32, #tpu.memory_space<hbm>>
    %dma_wait3A_117 = arith.constant 0 : i32
    %dma_wait3A_118 = tpu.memref_slice %arg4[%dma_wait3A_111, %dma_wait3A_117] : memref<8x12800xf32, #tpu.memory_space<vmem>> -> memref<1x12800xf32, #tpu.memory_space<vmem>>
    %dma_wait3A_119 = tpu.memref_squeeze %dma_wait3A_118 : memref<1x12800xf32, #tpu.memory_space<vmem>> -> memref<12800xf32, #tpu.memory_space<vmem>>
    %dma_wait3A_120 = arith.constant 0 : i32
    %dma_wait3A_121 = tpu.memref_slice %arg2[%dma_wait3A_120] : memref<131072xf32, #tpu.memory_space<hbm>> -> memref<12800xf32, #tpu.memory_space<hbm>>
    tpu.wait_dma2 semaphore(%arg5 : memref<!tpu.dma_semaphore, #tpu.memory_space<semaphore_mem>>) src(%dma_wait3A_121 : memref<12800xf32, #tpu.memory_space<hbm>>) dst(%dma_wait3A_119 : memref<12800xf32, #tpu.memory_space<vmem>>)
    %dma_wait3A_122 = arith.constant 3 : i32
    %dma_wait3A_123 = arith.constant 0 : i32
    %dma_wait3A_124 = tpu.memref_slice %arg4[%dma_wait3A_122, %dma_wait3A_123] : memref<8x12800xf32, #tpu.memory_space<vmem>> -> memref<1x12800xf32, #tpu.memory_space<vmem>>
    %dma_wait3A_125 = tpu.memref_squeeze %dma_wait3A_124 : memref<1x12800xf32, #tpu.memory_space<vmem>> -> memref<12800xf32, #tpu.memory_space<vmem>>
    %dma_wait3A_126 = arith.constant 0 : i32
    %dma_wait3A_127 = tpu.memref_slice %arg2[%dma_wait3A_126] : memref<131072xf32, #tpu.memory_space<hbm>> -> memref<12800xf32, #tpu.memory_space<hbm>>
    %dma_wait3A_128 = arith.constant 0 : i32
    %dma_wait3A_129 = tpu.memref_slice %arg4[%dma_wait3A_122, %dma_wait3A_128] : memref<8x12800xf32, #tpu.memory_space<vmem>> -> memref<1x12800xf32, #tpu.memory_space<vmem>>
    %dma_wait3A_130 = tpu.memref_squeeze %dma_wait3A_129 : memref<1x12800xf32, #tpu.memory_space<vmem>> -> memref<12800xf32, #tpu.memory_space<vmem>>
    %dma_wait3A_131 = arith.constant 0 : i32
    %dma_wait3A_132 = tpu.memref_slice %arg2[%dma_wait3A_131] : memref<131072xf32, #tpu.memory_space<hbm>> -> memref<12800xf32, #tpu.memory_space<hbm>>
    tpu.wait_dma2 semaphore(%arg5 : memref<!tpu.dma_semaphore, #tpu.memory_space<semaphore_mem>>) src(%dma_wait3A_132 : memref<12800xf32, #tpu.memory_space<hbm>>) dst(%dma_wait3A_130 : memref<12800xf32, #tpu.memory_space<vmem>>)
    %dma_wait3A_133 = arith.constant 4 : i32
    %dma_wait3A_134 = arith.constant 0 : i32
    %dma_wait3A_135 = tpu.memref_slice %arg4[%dma_wait3A_133, %dma_wait3A_134] : memref<8x12800xf32, #tpu.memory_space<vmem>> -> memref<1x12800xf32, #tpu.memory_space<vmem>>
    %dma_wait3A_136 = tpu.memref_squeeze %dma_wait3A_135 : memref<1x12800xf32, #tpu.memory_space<vmem>> -> memref<12800xf32, #tpu.memory_space<vmem>>
    %dma_wait3A_137 = arith.constant 0 : i32
    %dma_wait3A_138 = tpu.memref_slice %arg2[%dma_wait3A_137] : memref<131072xf32, #tpu.memory_space<hbm>> -> memref<12800xf32, #tpu.memory_space<hbm>>
    %dma_wait3A_139 = arith.constant 0 : i32
    %dma_wait3A_140 = tpu.memref_slice %arg4[%dma_wait3A_133, %dma_wait3A_139] : memref<8x12800xf32, #tpu.memory_space<vmem>> -> memref<1x12800xf32, #tpu.memory_space<vmem>>
    %dma_wait3A_141 = tpu.memref_squeeze %dma_wait3A_140 : memref<1x12800xf32, #tpu.memory_space<vmem>> -> memref<12800xf32, #tpu.memory_space<vmem>>
    %dma_wait3A_142 = arith.constant 0 : i32
    %dma_wait3A_143 = tpu.memref_slice %arg2[%dma_wait3A_142] : memref<131072xf32, #tpu.memory_space<hbm>> -> memref<12800xf32, #tpu.memory_space<hbm>>
    tpu.wait_dma2 semaphore(%arg5 : memref<!tpu.dma_semaphore, #tpu.memory_space<semaphore_mem>>) src(%dma_wait3A_143 : memref<12800xf32, #tpu.memory_space<hbm>>) dst(%dma_wait3A_141 : memref<12800xf32, #tpu.memory_space<vmem>>)
    %dma_wait3A_144 = arith.constant 5 : i32
    %dma_wait3A_145 = arith.constant 0 : i32
    %dma_wait3A_146 = tpu.memref_slice %arg4[%dma_wait3A_144, %dma_wait3A_145] : memref<8x12800xf32, #tpu.memory_space<vmem>> -> memref<1x12800xf32, #tpu.memory_space<vmem>>
    %dma_wait3A_147 = tpu.memref_squeeze %dma_wait3A_146 : memref<1x12800xf32, #tpu.memory_space<vmem>> -> memref<12800xf32, #tpu.memory_space<vmem>>
    %dma_wait3A_148 = arith.constant 0 : i32
    %dma_wait3A_149 = tpu.memref_slice %arg2[%dma_wait3A_148] : memref<131072xf32, #tpu.memory_space<hbm>> -> memref<12800xf32, #tpu.memory_space<hbm>>
    %dma_wait3A_150 = arith.constant 0 : i32
    %dma_wait3A_151 = tpu.memref_slice %arg4[%dma_wait3A_144, %dma_wait3A_150] : memref<8x12800xf32, #tpu.memory_space<vmem>> -> memref<1x12800xf32, #tpu.memory_space<vmem>>
    %dma_wait3A_152 = tpu.memref_squeeze %dma_wait3A_151 : memref<1x12800xf32, #tpu.memory_space<vmem>> -> memref<12800xf32, #tpu.memory_space<vmem>>
    %dma_wait3A_153 = arith.constant 0 : i32
    %dma_wait3A_154 = tpu.memref_slice %arg2[%dma_wait3A_153] : memref<131072xf32, #tpu.memory_space<hbm>> -> memref<12800xf32, #tpu.memory_space<hbm>>
    tpu.wait_dma2 semaphore(%arg5 : memref<!tpu.dma_semaphore, #tpu.memory_space<semaphore_mem>>) src(%dma_wait3A_154 : memref<12800xf32, #tpu.memory_space<hbm>>) dst(%dma_wait3A_152 : memref<12800xf32, #tpu.memory_space<vmem>>)
    %dma_wait3A_155 = arith.constant 6 : i32
    %dma_wait3A_156 = arith.constant 0 : i32
    %dma_wait3A_157 = tpu.memref_slice %arg4[%dma_wait3A_155, %dma_wait3A_156] : memref<8x12800xf32, #tpu.memory_space<vmem>> -> memref<1x12800xf32, #tpu.memory_space<vmem>>
    %dma_wait3A_158 = tpu.memref_squeeze %dma_wait3A_157 : memref<1x12800xf32, #tpu.memory_space<vmem>> -> memref<12800xf32, #tpu.memory_space<vmem>>
    %dma_wait3A_159 = arith.constant 0 : i32
    %dma_wait3A_160 = tpu.memref_slice %arg2[%dma_wait3A_159] : memref<131072xf32, #tpu.memory_space<hbm>> -> memref<12800xf32, #tpu.memory_space<hbm>>
    %dma_wait3A_161 = arith.constant 0 : i32
    %dma_wait3A_162 = tpu.memref_slice %arg4[%dma_wait3A_155, %dma_wait3A_161] : memref<8x12800xf32, #tpu.memory_space<vmem>> -> memref<1x12800xf32, #tpu.memory_space<vmem>>
    %dma_wait3A_163 = tpu.memref_squeeze %dma_wait3A_162 : memref<1x12800xf32, #tpu.memory_space<vmem>> -> memref<12800xf32, #tpu.memory_space<vmem>>
    %dma_wait3A_164 = arith.constant 0 : i32
    %dma_wait3A_165 = tpu.memref_slice %arg2[%dma_wait3A_164] : memref<131072xf32, #tpu.memory_space<hbm>> -> memref<12800xf32, #tpu.memory_space<hbm>>
    tpu.wait_dma2 semaphore(%arg5 : memref<!tpu.dma_semaphore, #tpu.memory_space<semaphore_mem>>) src(%dma_wait3A_165 : memref<12800xf32, #tpu.memory_space<hbm>>) dst(%dma_wait3A_163 : memref<12800xf32, #tpu.memory_space<vmem>>)
    %dma_wait3A_166 = arith.constant 7 : i32
    %dma_wait3A_167 = arith.constant 0 : i32
    %dma_wait3A_168 = tpu.memref_slice %arg4[%dma_wait3A_166, %dma_wait3A_167] : memref<8x12800xf32, #tpu.memory_space<vmem>> -> memref<1x12800xf32, #tpu.memory_space<vmem>>
    %dma_wait3A_169 = tpu.memref_squeeze %dma_wait3A_168 : memref<1x12800xf32, #tpu.memory_space<vmem>> -> memref<12800xf32, #tpu.memory_space<vmem>>
    %dma_wait3A_170 = arith.constant 0 : i32
    %dma_wait3A_171 = tpu.memref_slice %arg2[%dma_wait3A_170] : memref<131072xf32, #tpu.memory_space<hbm>> -> memref<12800xf32, #tpu.memory_space<hbm>>
    %dma_wait3A_172 = arith.constant 0 : i32
    %dma_wait3A_173 = tpu.memref_slice %arg4[%dma_wait3A_166, %dma_wait3A_172] : memref<8x12800xf32, #tpu.memory_space<vmem>> -> memref<1x12800xf32, #tpu.memory_space<vmem>>
    %dma_wait3A_174 = tpu.memref_squeeze %dma_wait3A_173 : memref<1x12800xf32, #tpu.memory_space<vmem>> -> memref<12800xf32, #tpu.memory_space<vmem>>
    %dma_wait3A_175 = arith.constant 0 : i32
    %dma_wait3A_176 = tpu.memref_slice %arg2[%dma_wait3A_175] : memref<131072xf32, #tpu.memory_space<hbm>> -> memref<12800xf32, #tpu.memory_space<hbm>>
    tpu.wait_dma2 semaphore(%arg5 : memref<!tpu.dma_semaphore, #tpu.memory_space<semaphore_mem>>) src(%dma_wait3A_176 : memref<12800xf32, #tpu.memory_space<hbm>>) dst(%dma_wait3A_174 : memref<12800xf32, #tpu.memory_space<vmem>>)
    %add3A_177 = arith.constant 0 : i32
    %add3A_178 = arith.addi %mul3A_2, %add3A_177 : i32
    %dma_start3A_179 = arith.constant 0 : i32
    %dma_start3A_180 = tpu.memref_slice %arg3[%add3A_178, %dma_start3A_179] : memref<2048x12800xf32, #tpu.memory_space<hbm>> -> memref<8x12800xf32, #tpu.memory_space<hbm>>
    %dma_start3A_181 = arith.constant 0 : i32
    %dma_start3A_182 = tpu.memref_slice %arg3[%add3A_178, %dma_start3A_181] : memref<2048x12800xf32, #tpu.memory_space<hbm>> -> memref<8x12800xf32, #tpu.memory_space<hbm>>
    tpu.enqueue_dma source(%arg4 : memref<8x12800xf32, #tpu.memory_space<vmem>>) target(%dma_start3A_182 : memref<8x12800xf32, #tpu.memory_space<hbm>>) target_semaphore(%arg5 : memref<!tpu.dma_semaphore, #tpu.memory_space<semaphore_mem>>)
    %add3A_183 = arith.constant 8 : i32
    %add3A_184 = arith.addi %mul3A_2, %add3A_183 : i32
    %dma_start3A_185 = arith.constant 0 : i32
    %dma_start3A_186 = tpu.memref_slice %arg3[%add3A_184, %dma_start3A_185] : memref<2048x12800xf32, #tpu.memory_space<hbm>> -> memref<8x12800xf32, #tpu.memory_space<hbm>>
    %dma_start3A_187 = arith.constant 0 : i32
    %dma_start3A_188 = tpu.memref_slice %arg3[%add3A_184, %dma_start3A_187] : memref<2048x12800xf32, #tpu.memory_space<hbm>> -> memref<8x12800xf32, #tpu.memory_space<hbm>>
    tpu.enqueue_dma source(%arg4 : memref<8x12800xf32, #tpu.memory_space<vmem>>) target(%dma_start3A_188 : memref<8x12800xf32, #tpu.memory_space<hbm>>) target_semaphore(%arg5 : memref<!tpu.dma_semaphore, #tpu.memory_space<semaphore_mem>>)
    %add3A_189 = arith.constant 16 : i32
    %add3A_190 = arith.addi %mul3A_2, %add3A_189 : i32
    %dma_start3A_191 = arith.constant 0 : i32
    %dma_start3A_192 = tpu.memref_slice %arg3[%add3A_190, %dma_start3A_191] : memref<2048x12800xf32, #tpu.memory_space<hbm>> -> memref<8x12800xf32, #tpu.memory_space<hbm>>
    %dma_start3A_193 = arith.constant 0 : i32
    %dma_start3A_194 = tpu.memref_slice %arg3[%add3A_190, %dma_start3A_193] : memref<2048x12800xf32, #tpu.memory_space<hbm>> -> memref<8x12800xf32, #tpu.memory_space<hbm>>
    tpu.enqueue_dma source(%arg4 : memref<8x12800xf32, #tpu.memory_space<vmem>>) target(%dma_start3A_194 : memref<8x12800xf32, #tpu.memory_space<hbm>>) target_semaphore(%arg5 : memref<!tpu.dma_semaphore, #tpu.memory_space<semaphore_mem>>)
    %add3A_195 = arith.constant 24 : i32
    %add3A_196 = arith.addi %mul3A_2, %add3A_195 : i32
    %dma_start3A_197 = arith.constant 0 : i32
    %dma_start3A_198 = tpu.memref_slice %arg3[%add3A_196, %dma_start3A_197] : memref<2048x12800xf32, #tpu.memory_space<hbm>> -> memref<8x12800xf32, #tpu.memory_space<hbm>>
    %dma_start3A_199 = arith.constant 0 : i32
    %dma_start3A_200 = tpu.memref_slice %arg3[%add3A_196, %dma_start3A_199] : memref<2048x12800xf32, #tpu.memory_space<hbm>> -> memref<8x12800xf32, #tpu.memory_space<hbm>>
    tpu.enqueue_dma source(%arg4 : memref<8x12800xf32, #tpu.memory_space<vmem>>) target(%dma_start3A_200 : memref<8x12800xf32, #tpu.memory_space<hbm>>) target_semaphore(%arg5 : memref<!tpu.dma_semaphore, #tpu.memory_space<semaphore_mem>>)
    %add3A_201 = arith.constant 32 : i32
    %add3A_202 = arith.addi %mul3A_2, %add3A_201 : i32
    %dma_start3A_203 = arith.constant 0 : i32
    %dma_start3A_204 = tpu.memref_slice %arg3[%add3A_202, %dma_start3A_203] : memref<2048x12800xf32, #tpu.memory_space<hbm>> -> memref<8x12800xf32, #tpu.memory_space<hbm>>
    %dma_start3A_205 = arith.constant 0 : i32
    %dma_start3A_206 = tpu.memref_slice %arg3[%add3A_202, %dma_start3A_205] : memref<2048x12800xf32, #tpu.memory_space<hbm>> -> memref<8x12800xf32, #tpu.memory_space<hbm>>
    tpu.enqueue_dma source(%arg4 : memref<8x12800xf32, #tpu.memory_space<vmem>>) target(%dma_start3A_206 : memref<8x12800xf32, #tpu.memory_space<hbm>>) target_semaphore(%arg5 : memref<!tpu.dma_semaphore, #tpu.memory_space<semaphore_mem>>)
    %add3A_207 = arith.constant 40 : i32
    %add3A_208 = arith.addi %mul3A_2, %add3A_207 : i32
    %dma_start3A_209 = arith.constant 0 : i32
    %dma_start3A_210 = tpu.memref_slice %arg3[%add3A_208, %dma_start3A_209] : memref<2048x12800xf32, #tpu.memory_space<hbm>> -> memref<8x12800xf32, #tpu.memory_space<hbm>>
    %dma_start3A_211 = arith.constant 0 : i32
    %dma_start3A_212 = tpu.memref_slice %arg3[%add3A_208, %dma_start3A_211] : memref<2048x12800xf32, #tpu.memory_space<hbm>> -> memref<8x12800xf32, #tpu.memory_space<hbm>>
    tpu.enqueue_dma source(%arg4 : memref<8x12800xf32, #tpu.memory_space<vmem>>) target(%dma_start3A_212 : memref<8x12800xf32, #tpu.memory_space<hbm>>) target_semaphore(%arg5 : memref<!tpu.dma_semaphore, #tpu.memory_space<semaphore_mem>>)
    %add3A_213 = arith.constant 48 : i32
    %add3A_214 = arith.addi %mul3A_2, %add3A_213 : i32
    %dma_start3A_215 = arith.constant 0 : i32
    %dma_start3A_216 = tpu.memref_slice %arg3[%add3A_214, %dma_start3A_215] : memref<2048x12800xf32, #tpu.memory_space<hbm>> -> memref<8x12800xf32, #tpu.memory_space<hbm>>
    %dma_start3A_217 = arith.constant 0 : i32
    %dma_start3A_218 = tpu.memref_slice %arg3[%add3A_214, %dma_start3A_217] : memref<2048x12800xf32, #tpu.memory_space<hbm>> -> memref<8x12800xf32, #tpu.memory_space<hbm>>
    tpu.enqueue_dma source(%arg4 : memref<8x12800xf32, #tpu.memory_space<vmem>>) target(%dma_start3A_218 : memref<8x12800xf32, #tpu.memory_space<hbm>>) target_semaphore(%arg5 : memref<!tpu.dma_semaphore, #tpu.memory_space<semaphore_mem>>)
    %add3A_219 = arith.constant 56 : i32
    %add3A_220 = arith.addi %mul3A_2, %add3A_219 : i32
    %dma_start3A_221 = arith.constant 0 : i32
    %dma_start3A_222 = tpu.memref_slice %arg3[%add3A_220, %dma_start3A_221] : memref<2048x12800xf32, #tpu.memory_space<hbm>> -> memref<8x12800xf32, #tpu.memory_space<hbm>>
    %dma_start3A_223 = arith.constant 0 : i32
    %dma_start3A_224 = tpu.memref_slice %arg3[%add3A_220, %dma_start3A_223] : memref<2048x12800xf32, #tpu.memory_space<hbm>> -> memref<8x12800xf32, #tpu.memory_space<hbm>>
    tpu.enqueue_dma source(%arg4 : memref<8x12800xf32, #tpu.memory_space<vmem>>) target(%dma_start3A_224 : memref<8x12800xf32, #tpu.memory_space<hbm>>) target_semaphore(%arg5 : memref<!tpu.dma_semaphore, #tpu.memory_space<semaphore_mem>>)
    %dma_wait3A_225 = arith.constant 0 : i32
    %dma_wait3A_226 = tpu.memref_slice %arg3[%add3A_178, %dma_wait3A_225] : memref<2048x12800xf32, #tpu.memory_space<hbm>> -> memref<8x12800xf32, #tpu.memory_space<hbm>>
    %dma_wait3A_227 = arith.constant 0 : i32
    %dma_wait3A_228 = tpu.memref_slice %arg3[%add3A_178, %dma_wait3A_227] : memref<2048x12800xf32, #tpu.memory_space<hbm>> -> memref<8x12800xf32, #tpu.memory_space<hbm>>
    tpu.wait_dma2 semaphore(%arg5 : memref<!tpu.dma_semaphore, #tpu.memory_space<semaphore_mem>>) src(%arg4 : memref<8x12800xf32, #tpu.memory_space<vmem>>) dst(%dma_wait3A_228 : memref<8x12800xf32, #tpu.memory_space<hbm>>)
    %dma_wait3A_229 = arith.constant 0 : i32
    %dma_wait3A_230 = tpu.memref_slice %arg3[%add3A_184, %dma_wait3A_229] : memref<2048x12800xf32, #tpu.memory_space<hbm>> -> memref<8x12800xf32, #tpu.memory_space<hbm>>
    %dma_wait3A_231 = arith.constant 0 : i32
    %dma_wait3A_232 = tpu.memref_slice %arg3[%add3A_184, %dma_wait3A_231] : memref<2048x12800xf32, #tpu.memory_space<hbm>> -> memref<8x12800xf32, #tpu.memory_space<hbm>>
    tpu.wait_dma2 semaphore(%arg5 : memref<!tpu.dma_semaphore, #tpu.memory_space<semaphore_mem>>) src(%arg4 : memref<8x12800xf32, #tpu.memory_space<vmem>>) dst(%dma_wait3A_232 : memref<8x12800xf32, #tpu.memory_space<hbm>>)
    %dma_wait3A_233 = arith.constant 0 : i32
    %dma_wait3A_234 = tpu.memref_slice %arg3[%add3A_190, %dma_wait3A_233] : memref<2048x12800xf32, #tpu.memory_space<hbm>> -> memref<8x12800xf32, #tpu.memory_space<hbm>>
    %dma_wait3A_235 = arith.constant 0 : i32
    %dma_wait3A_236 = tpu.memref_slice %arg3[%add3A_190, %dma_wait3A_235] : memref<2048x12800xf32, #tpu.memory_space<hbm>> -> memref<8x12800xf32, #tpu.memory_space<hbm>>
    tpu.wait_dma2 semaphore(%arg5 : memref<!tpu.dma_semaphore, #tpu.memory_space<semaphore_mem>>) src(%arg4 : memref<8x12800xf32, #tpu.memory_space<vmem>>) dst(%dma_wait3A_236 : memref<8x12800xf32, #tpu.memory_space<hbm>>)
    %dma_wait3A_237 = arith.constant 0 : i32
    %dma_wait3A_238 = tpu.memref_slice %arg3[%add3A_196, %dma_wait3A_237] : memref<2048x12800xf32, #tpu.memory_space<hbm>> -> memref<8x12800xf32, #tpu.memory_space<hbm>>
    %dma_wait3A_239 = arith.constant 0 : i32
    %dma_wait3A_240 = tpu.memref_slice %arg3[%add3A_196, %dma_wait3A_239] : memref<2048x12800xf32, #tpu.memory_space<hbm>> -> memref<8x12800xf32, #tpu.memory_space<hbm>>
    tpu.wait_dma2 semaphore(%arg5 : memref<!tpu.dma_semaphore, #tpu.memory_space<semaphore_mem>>) src(%arg4 : memref<8x12800xf32, #tpu.memory_space<vmem>>) dst(%dma_wait3A_240 : memref<8x12800xf32, #tpu.memory_space<hbm>>)
    %dma_wait3A_241 = arith.constant 0 : i32
    %dma_wait3A_242 = tpu.memref_slice %arg3[%add3A_202, %dma_wait3A_241] : memref<2048x12800xf32, #tpu.memory_space<hbm>> -> memref<8x12800xf32, #tpu.memory_space<hbm>>
    %dma_wait3A_243 = arith.constant 0 : i32
    %dma_wait3A_244 = tpu.memref_slice %arg3[%add3A_202, %dma_wait3A_243] : memref<2048x12800xf32, #tpu.memory_space<hbm>> -> memref<8x12800xf32, #tpu.memory_space<hbm>>
    tpu.wait_dma2 semaphore(%arg5 : memref<!tpu.dma_semaphore, #tpu.memory_space<semaphore_mem>>) src(%arg4 : memref<8x12800xf32, #tpu.memory_space<vmem>>) dst(%dma_wait3A_244 : memref<8x12800xf32, #tpu.memory_space<hbm>>)
    %dma_wait3A_245 = arith.constant 0 : i32
    %dma_wait3A_246 = tpu.memref_slice %arg3[%add3A_208, %dma_wait3A_245] : memref<2048x12800xf32, #tpu.memory_space<hbm>> -> memref<8x12800xf32, #tpu.memory_space<hbm>>
    %dma_wait3A_247 = arith.constant 0 : i32
    %dma_wait3A_248 = tpu.memref_slice %arg3[%add3A_208, %dma_wait3A_247] : memref<2048x12800xf32, #tpu.memory_space<hbm>> -> memref<8x12800xf32, #tpu.memory_space<hbm>>
    tpu.wait_dma2 semaphore(%arg5 : memref<!tpu.dma_semaphore, #tpu.memory_space<semaphore_mem>>) src(%arg4 : memref<8x12800xf32, #tpu.memory_space<vmem>>) dst(%dma_wait3A_248 : memref<8x12800xf32, #tpu.memory_space<hbm>>)
    %dma_wait3A_249 = arith.constant 0 : i32
    %dma_wait3A_250 = tpu.memref_slice %arg3[%add3A_214, %dma_wait3A_249] : memref<2048x12800xf32, #tpu.memory_space<hbm>> -> memref<8x12800xf32, #tpu.memory_space<hbm>>
    %dma_wait3A_251 = arith.constant 0 : i32
    %dma_wait3A_252 = tpu.memref_slice %arg3[%add3A_214, %dma_wait3A_251] : memref<2048x12800xf32, #tpu.memory_space<hbm>> -> memref<8x12800xf32, #tpu.memory_space<hbm>>
    tpu.wait_dma2 semaphore(%arg5 : memref<!tpu.dma_semaphore, #tpu.memory_space<semaphore_mem>>) src(%arg4 : memref<8x12800xf32, #tpu.memory_space<vmem>>) dst(%dma_wait3A_252 : memref<8x12800xf32, #tpu.memory_space<hbm>>)
    %dma_wait3A_253 = arith.constant 0 : i32
    %dma_wait3A_254 = tpu.memref_slice %arg3[%add3A_220, %dma_wait3A_253] : memref<2048x12800xf32, #tpu.memory_space<hbm>> -> memref<8x12800xf32, #tpu.memory_space<hbm>>
    %dma_wait3A_255 = arith.constant 0 : i32
    %dma_wait3A_256 = tpu.memref_slice %arg3[%add3A_220, %dma_wait3A_255] : memref<2048x12800xf32, #tpu.memory_space<hbm>> -> memref<8x12800xf32, #tpu.memory_space<hbm>>
    tpu.wait_dma2 semaphore(%arg5 : memref<!tpu.dma_semaphore, #tpu.memory_space<semaphore_mem>>) src(%arg4 : memref<8x12800xf32, #tpu.memory_space<vmem>>) dst(%dma_wait3A_256 : memref<8x12800xf32, #tpu.memory_space<hbm>>)
    return
  }
}

module attributes {stable_mosaic.version = 14 : i64} {
  func.func @body(%arg0: i32, %arg1: memref<1x12800xf32, #tpu.memory_space<vmem>>, %arg2: memref<256x12800xf32, #tpu.memory_space<vmem>>) attributes {dimension_semantics = [#tpu.dimension_semantics<arbitrary>], iteration_bounds = array<i64: 8>, scalar_prefetch = 0 : i64, scratch_operands = 0 : i64, tpu.core_type = #tpu.core_type<tc>, window_params = [{pipeline_mode = #tpu.pipeline_mode<synchronous>, transform_indices = @transform_0, window_bounds = array<i64: 1, 12800>}, {transform_indices = @transform_1, window_bounds = array<i64: 256, 12800>}]} {
    %get3A = arith.constant 0 : index
    %get3A_0 = arith.constant 0 : index
    %get3A_1 = vector.load %arg1[%get3A, %get3A_0] : memref<1x12800xf32, #tpu.memory_space<vmem>>, vector<1x12800xf32>
    %broadcast_in_dim3A = vector.shape_cast %get3A_1 : vector<1x12800xf32> to vector<1x12800xf32>
    %broadcast_in_dim3A_2 = vector.broadcast %broadcast_in_dim3A : vector<1x12800xf32> to vector<256x12800xf32>
    %swap3A = arith.constant 0 : index
    %swap3A_3 = arith.constant 0 : index
    %swap3A_4 = vector.load %arg2[%swap3A, %swap3A_3] : memref<256x12800xf32, #tpu.memory_space<vmem>>, vector<256x12800xf32>
    tpu.vector_store %arg2[%swap3A, %swap3A_3], %broadcast_in_dim3A_2 {strides = array<i32>} : memref<256x12800xf32, #tpu.memory_space<vmem>>, vector<256x12800xf32>,
    return
  }
  func.func @transform_0(%arg0: i32) -> (i32, i32) {
    %c0_i32 = arith.constant 0 : i32
    %c0_i32_0 = arith.constant 0 : i32
    %c0_i32_1 = arith.constant 0 : i32
    return %c0_i32, %c0_i32_0 : i32, i32
  }
  func.func @transform_1(%arg0: i32) -> (i32, i32) {
    %c0_i32 = arith.constant 0 : i32
    %c0_i32_0 = arith.constant 0 : i32
    return %arg0, %c0_i32 : i32, i32
  }
}

</mosaic_0001>

<sc_bundles>
// kernel: kernel.5.cloned.1.call-start
scs
__scs_entry_jumppad:
0x0: {  	(pc) =	sbr.rel $0x88, $3  }
0x1: {  	(tag) =	ssettag $0x0;
	lr =	simm.s32 $0x1  }
0x2: {  	[smem:$0x3FA0] =	sst lr;
	_ =	strace $0xD0000000  }
0x3: {  	_ = 	snop  }
0x4: {  	_ = 	snop  }
0x5: {  	_ = 	snop  }
0x6: {  	_ = 	snop  }
0x7: {  	_ = 	snop  }
__scs_overlays_trampoline_lowered:
0x8: {  	[smem:$0x3FAF] =	sst s0  }
0x9: {  	[smem:$0x3FB0] =	sst s1  }
0xa: {  	[smem:$0x3FB1] =	sst s2  }
0xb: {  	[smem:$0x3FB2] =	sst s3  }
0xc: {  	[smem:$0x3FB3] =	sst s4  }
0xd: {  	[smem:$0x3FB4] =	sst s5  }
0xe: {  	[smem:$0x3FB5] =	sst s6  }
0xf: {  	[smem:$0x3FB6] =	sst s7  }
0x10: {  	[smem:$0x3FB7] =	sst s8  }
0x11: {  	[smem:$0x3FB8] =	sst s9;
	s0 =	simm.s32 @!p0 $0x0  }
0x12: {  	s1 =	sld [smem:$0x3F9E];
	s0 =	simm.s32 @p0 $0x1  }
0x13: {  	[smem:$0x3FB9] =	sst s0;
	s0 =	simm.s32 @!p1 $0x0  }
0x14: {  	s2 =	sld [smem:$0x3F9D];
	s0 =	simm.s32 @p1 $0x1  }
0x15: {  	[smem:$0x3FBA] =	sst s0;
	s0 =	simm.s32 @!p2 $0x0  }
0x16: {  	s3 =	sld [smem:$0x3FDB];
	s0 =	simm.s32 @p2 $0x1  }
0x17: {  	s4 =	simm.s32 $0x1BF5;
	[smem:$0x3FBC] =	sst s0  }
0x18: {  	s0 =	sld [smem:$0x3F9F];
	_ =	swait.ge [sflag:s4], $0x0  }
0x19: {  	s7 =	sld [smem:$0x3FA0]  }
0x1a: {  	s8 =	sadd.s32 $0xFFFFE003, lr  }
0x1b: {  	s9 =	sadd.s32 $0xFFFFFEF7, lr;
	s5 =	simm.s32 $0xFFFFFFFF;
	p2 =	slt.u32 s8, $0xFFFFF086  }
0x1c: {  	p1 =	slt.u32 s9, $0xF7A;
	s5 =	simm.s32 @!p2 $0x0  }
0x1d: {  	s5 =	simm.s32 @p1 $0x1;
	p0 =	seq.s32 s7, s2  }
0x1e: {  	s7 =	smul.u32 @!p0 $0xF7A, s2;
	p2 =	seq.s32 @!p0 s5, $0x0  }
0x1f: {  	s9 =	smul.u32 $0xF7A, s1;
	s8 =	simm.s32 @!p0 $0x1BF5;
	p2 =	por !p2, p0  }
0x20: {  	[sflag:s8] =	ssyncset.s32 @!p0 $0xFFFFF086;
	s6 =	sadd.s32 @!p0 s3, s7;
	s7 =	simm.s32 @!p0 $0x108  }
0x21: {  	s3 =	sadd.s32 s3, s9;
	s6 =	sadd.s32 @!p0 $0x88, s6;
	s7 =	simm.s32 @p2 $0x1082  }
0x22: {  	[simem:s7], [sflag:s8] =	dma.local @!p0 [hbm:s6], $0xF7A  }
0x23: {  	s9 =	sor.u32 $0xD0000000, s2;
	s6 =	simm.s32 $0x108;
	_ =	swait.ge @!p0 [sflag:s8], $0x0  }
0x24: {  	s3 =	sadd.s32 $0x88, s3;
	s6 =	simm.s32 @!p1 $0x1082;
	[sflag:s4] =	ssyncset.s32 $0xFFFFF086  }
0x25: {  	[simem:s6], [sflag:s4] =	dma.local [hbm:s3], $0xF7A  }
0x26: {  	[smem:$0x3FA0] =	sst s1;
	(tag) =	ssettag s2;
	_ =	strace s9  }
0x27: {  	s1 =	sld [smem:$0x3FB0]  }
0x28: {  	s2 =	sld [smem:$0x3FB1]  }
0x29: {  	s4 =	sld [smem:$0x3FB3]  }
0x2a: {  	p0 =	seq.s32 s5, $0x0;
	s5 =	sld [smem:$0x3FB4]  }
0x2b: {  	s6 =	sld [smem:$0x3FB5]  }
0x2c: {  	s7 =	sld [smem:$0x3FB6]  }
0x2d: {  	s3 =	simm.s32 $0x108;
	s8 =	sld [smem:$0x3FB7]  }
0x2e: {  	s3 =	simm.s32 @!p0 $0x1082;
	s9 =	sld [smem:$0x3FB8]  }
0x2f: {  	lr =	sadd.s32 s0, s3;
	s0 =	sld [smem:$0x3FAF]  }
0x30: {  	s3 =	sld [smem:$0x3FB2]  }
0x31: {  	[smem:$0x3FBB] =	sst s10  }
0x32: {  	s10 =	sld [smem:$0x3FB9];
	_ =	sdelay $0x3  }
0x33: {  	p0 =	seq.s32 s10, $0x1;
	s10 =	sld [smem:$0x3FBB];
	_ =	sdelay $0x3  }
0x34: {  	[smem:$0x3FBB] =	sst s10  }
0x35: {  	s10 =	sld [smem:$0x3FBA];
	_ =	sdelay $0x3  }
0x36: {  	p1 =	seq.s32 s10, $0x1;
	s10 =	sld [smem:$0x3FBB];
	_ =	sdelay $0x3  }
0x37: {  	[smem:$0x3FBB] =	sst s10  }
0x38: {  	s10 =	sld [smem:$0x3FBC]  }
0x39: {  	_ = 	snop;
	(pc) =	sbr.ind lr, $3  }
0x3a: {  	_ = 	snop  }
0x3b: {  	_ = 	snop  }
0x3c: {  	p2 =	seq.s32 s10, $0x1;
	s10 =	sld [smem:$0x3FBB]  }
0x3d: {  	_ =	shalt  }
0x3e: {  	_ =	shalt  }
0x3f: {  	_ =	shalt  }
0x40: {  	_ =	shalt  }
0x41: {  	_ =	shalt  }
0x42: {  	_ =	shalt  }
0x43: {  	_ =	shalt  }
0x44: {  	_ =	shalt  }
0x45: {  	_ =	shalt  }
0x46: {  	_ =	shalt  }
0x47: {  	_ =	shalt  }
0x48: {  	_ =	shalt  }
0x49: {  	_ =	shalt  }
0x4a: {  	_ =	shalt  }
0x4b: {  	_ =	shalt  }
0x4c: {  	_ =	shalt  }
0x4d: {  	_ =	shalt  }
0x4e: {  	_ =	shalt  }
0x4f: {  	_ =	shalt  }
0x50: {  	_ =	shalt  }
0x51: {  	_ =	shalt  }
0x52: {  	_ =	shalt  }
0x53: {  	_ =	shalt  }
0x54: {  	_ =	shalt  }
0x55: {  	_ =	shalt  }
0x56: {  	_ =	shalt  }
0x57: {  	_ =	shalt  }
0x58: {  	_ =	shalt  }
0x59: {  	_ =	shalt  }
0x5a: {  	_ =	shalt  }
0x5b: {  	_ =	shalt  }
0x5c: {  	_ =	shalt  }
0x5d: {  	_ =	shalt  }
0x5e: {  	_ =	shalt  }
0x5f: {  	_ =	shalt  }
0x60: {  	_ =	shalt  }
0x61: {  	_ =	shalt  }
0x62: {  	_ =	shalt  }
0x63: {  	_ =	shalt  }
0x64: {  	_ =	shalt  }
0x65: {  	_ =	shalt  }
0x66: {  	_ =	shalt  }
0x67: {  	_ =	shalt  }
0x68: {  	_ =	shalt  }
0x69: {  	_ =	shalt  }
0x6a: {  	_ =	shalt  }
0x6b: {  	_ =	shalt  }
0x6c: {  	_ =	shalt  }
0x6d: {  	_ =	shalt  }
0x6e: {  	_ =	shalt  }
0x6f: {  	_ =	shalt  }
0x70: {  	_ =	shalt  }
0x71: {  	_ =	shalt  }
0x72: {  	_ =	shalt  }
0x73: {  	_ =	shalt  }
0x74: {  	_ =	shalt  }
0x75: {  	_ =	shalt  }
0x76: {  	_ =	shalt  }
0x77: {  	_ =	shalt  }
0x78: {  	_ =	shalt  }
0x79: {  	_ =	shalt  }
0x7a: {  	_ =	shalt  }
0x7b: {  	_ =	shalt  }
0x7c: {  	_ =	shalt  }
0x7d: {  	_ =	shalt  }
0x7e: {  	_ =	shalt  }
0x7f: {  	_ =	shalt  }
0x80: {  	_ =	shalt  }
0x81: {  	_ =	shalt  }
0x82: {  	_ =	shalt  }
0x83: {  	_ =	shalt  }
0x84: {  	_ =	shalt  }
0x85: {  	_ =	shalt  }
0x86: {  	_ =	shalt  }
0x87: {  	_ =	shalt  }
.Lfunc_end0:
.L_simem_size_0:
called_computation_lowered:
.L_overlay_start_0:
0x88: {  	s2 =	sld [smem:$0x3FD9]  }
0x89: {  	s3 =	sld [smem:$0x3FFE];
	_ =	sdelay $0x1  }
0x8a: {  	s1 =	srdreg.scid  }
0x8b: {  	s0 =	sand.u32 $0x1, s1  }
0x8c: {  	s17 =	sshll.u32 s0, $0xA;
	s2 =	sadd.s32 s3, s2  }
0x8d: {  	s2 =	sadd.s32 s2, s17  }
0x8e: {  	[smem:$0x3FC7] =	sst s2  }
0x8f: {  	_ = 	snop  }
0x90: {  	(tm) =	ssettm $0x1  }
0x91: {  	s18 =	sld [smem:$0x3FFB];
	_ =	sdelay $0x3  }
0x92: {  	_ =	strace s18  }
0x93: {  	s2 =	sld [smem:$0x3FFC];
	_ =	sdelay $0x3  }
0x94: {  	_ =	strace s2  }
0x95: {  	s2 =	sld [smem:$0x3FFD];
	_ =	sdelay $0x3  }
0x96: {  	_ =	strace s2  }
0x97: {  	_ =	strace $0x8FFFFFFF  }
0x98: {  	s19 =	sld [smem:$0x3FDB];
	_ =	sdelay $0x1  }
0x99: {  	s20 =	simm.s32 $_scs_section_size  }
0x9a: {  	s4 =	simm.s32 $_size__tile_overlayer_lowered;
	s5 =	simm.s32 $_tile_overlayer_lowered  }
0x9b: {  	s6 =	simm.s32 $0x1BFF;
	s21 =	sshll.u32 s5, $0x1;
	s3 =	sadd.s32 s20, s19  }
0x9c: {  	s22 =	simm.s32 $0x0;
	s4 =	sshll.u32 s4, $0x1;
	s5 =	sadd.s32 s21, s3  }
0x9d: {  	[timem:s22], [sflag:s6] =	dma.local [hbm:s5], s4  }
0x9e: {  	_ =	swait.ge [sflag:s6], s4  }
0x9f: {  	s4 =	ssub.s32 $0x0, s4;
	[sflag:s6] =	ssyncset.done $0x0  }
0xa0: {  	[sflag:s6] =	ssyncadd.s32 s4;
	_ =	sdelay $0x1  }
0xa1: {  	s23 =	simm.s32 $0x1B8B  }
0xa2: {  	_ =	swait.ge [sflag:s23], $0x1  }
0xa3: {  	[sflag:s23] =	ssyncset.done $0x0  }
0xa4: {  	[sflag:s23] =	ssyncadd.s32 $0xFFFFFFFF  }
0xa5: {  	s4 =	sld [smem:$0x0]  }
0xa6: {  	s5 =	sand.u32 $0xFFFFFFFE, s1  }
0xa7: {  	p0 =	sne.s32 s1, s5  }
0xa8: {  	s5 =	sshll.u32 @p0 s5, $0xE  }
0xa9: {  	s5 =	sadd.s32 @p0 $0x11B8D, s5;
	s6 =	sshll.u32 @p0 s4, $0x11  }
0xaa: {  	s5 =	sor.u32 @p0 s6, s5  }
0xab: {  	[sflag:s5] =	ssyncadd.remote.s32 @p0 $0x1;
	_ =	sdelay $0x1  }
0xac: {  	s5 =	simm.s32 @p0 $0x1B8D  }
0xad: {  	_ =	swait.eq @p0 [sflag:s5], $0x1  }
0xae: {  	[sflag:s5] =	ssyncadd.s32 @p0 $0xFFFFFFFF  }
0xaf: {  	s6 =	sshll.u32 @!p0 s1, $0xE  }
0xb0: {  	s6 =	sor.u32 @!p0 $0x4000, s6;
	s5 =	simm.s32 @!p0 $0x1B8D  }
0xb1: {  	s4 =	sshll.u32 @!p0 s4, $0x11;
	s6 =	sadd.s32 @!p0 $0x11B8D, s6;
	_ =	swait.eq @!p0 [sflag:s5], $0x1  }
0xb2: {  	s4 =	sor.u32 @!p0 s4, s6;
	[sflag:s5] =	ssyncadd.s32 @!p0 $0xFFFFFFFF  }
0xb3: {  	s25 =	simm.s32 $0x1B8E;
	s24 =	sld [smem:$0x3FFE];
	[sflag:s4] =	ssyncadd.remote.s32 @!p0 $0x1  }
0xb4: {  	s26 =	simm.s32 $execute0_lowered;
	[smem:$0x3FD2] =	sst s25  }
0xb5: {  	s5 =	sshll.u32 s26, $0x1;
	_ =	strace $0x80000049;
	[dreg:$0x1] =	wrdreg $0xFFFFFFFF  }
0xb6: {  	s28 =	simm.s32 $_size_execute0_lowered;
	s3 =	sadd.s32 s3, s5;
	[dreg:$0x0] =	wrdreg $0x0  }
0xb7: {  	s5 =	sshll.u32 s28, $0x1;
	[dreg:$0x2] =	wrdreg s3  }
0xb8: {  	[dreg:$0x3] =	wrdreg s5  }
0xb9: {  	[dreg:$0x4] =	wrdreg $0xC0  }
0xba: {  	_ =	task [dreg:s22], $0x5FFFF  }
0xbb: {  	[dreg:$0x1] =	wrdreg $0xFFFFFFFF  }
0xbc: {  	[dreg:$0x0] =	wrdreg $0x60  }
0xbd: {  	[dreg:$0x2] =	wrdreg s24  }
0xbe: {  	[dreg:$0x3] =	wrdreg $0x9  }
0xbf: {  	_ =	task.clear_ibuf [dreg:s22], $0x4FFFF;
	_ =	strace $0x90000049  }
0xc0: {  	s29 =	simm.s32 $0x9;
	_ =	strace $0x8000004B  }
0xc1: {  	_ =	swait.ge [sflag:s29], $0x1  }
0xc2: {  	[sflag:s29] =	ssyncadd.s32 $0xFFFFFFFF  }
0xc3: {  	_ =	strace $0x9000004B  }
0xc4: {  	_ =	sfence  }
0xc5: {  	s30 =	sld [smem:$0x0];
	_ =	sdelay $0x2  }
0xc6: {  	s31 =	sshll.u32 s1, $0xD;
	s1 =	sshrl.u32 s1, $0x2  }
0xc7: {  	s4 =	sand.u32 $0x4000, s31;
	s1 =	sadd.s32 s1, s30  }
0xc8: {  	s0 =	sor.u32 s4, s0;
	s1 =	sshll.u32 s1, $0x11  }
0xc9: {  	s0 =	sor.u32 s1, s0  }
0xca: {  	s0 =	sadd.s32 $0x8F2B, s0  }
0xcb: {  	[sflag:s0] =	ssyncadd.remote.s32 $0x1  }
0xcc: {  	_ =	sfence.sel $0xFFFF  }
0xcd: {  	[dreg:$0x0] =	wrdreg $0xFFFFFFFF;
	(pc) =	sbr.abs _section_cstart, $3  }
0xce: {  	[dreg:$0x1] =	wrdreg $0xFFFFFFFF  }
0xcf: {  	_ =	task.clear_ibuf [dreg:s22], $0x2FFFF;
	_ =	strace $0x9FFFFFFF  }
0xd0: {  	(tm) =	ssettm $0x7FFFFFFF  }
0xd1: {  	_ =	shalt  }
tec
execute0_lowered:
.L_overlay_start_1:
0x0: {  	(tag) =	ssettag $0x1  }
0x1: {  	s1 =	srdreg.scid  }
0x2: {  	s0 =	stileid.u32;
	s4 =	rddreg [dreg:$0x0];
	s3 =	sand.u32 $0x1, s1  }
0x3: {  	s2 =	simm.s32 $0x0;
	s5 =	sshll.u32 s0, $0x4;
	s6 =	sshll.u32 s3, $0x3  }
0x4: {  	s13 =	simm.s32 $0x1;
	s1 =	rddreg [dreg:$0x1];
	s5 =	sor.u32 s6, s5  }
0x5: {  	s14 =	simm.s32 $0x0;
	[smem:$0x7FF] =	sst s2;
	s6 =	smul.u32 $0x19000, s5  }
0x6: {  	s7 =	sadd.s32 $0x4800, s4;
	_ =	strace $0x8000004A;
	s8 =	ssub.s32 $0x2, s3  }
0x7: {  	s31 =	sshrl.u32 s8, $0x1;
	s5 =	smul.u32 $0x3200, s5;
	s6 =	sshrl.u32 s6, $0x3  }
0x8: {  	s3 =	sadd.s32 $0x800, s4;
	s12 =	ssub.s32 s8, s31;
	s11 =	sadd.s32 s7, s6  }
0x9: {  	s12 =	smax.u32 s12, $0x1;
	s4 =	sadd.s32 s7, s5;
	s5 =	sadd.s32 $0x3200, s11  }
0xa: {  	s6 =	sadd.s32 $0x6400, s11;
	s7 =	sadd.s32 $0x9600, s11;
	s8 =	sadd.s32 $0xC800, s11  }
0xb: {  	s9 =	sadd.s32 $0xFA00, s11;
	s10 =	sadd.s32 $0x12C00, s11;
	s11 =	sadd.s32 $0x15E00, s11  }
.LBB2_1:
0xc: {  	s16 =	simm.s32 $0x0;
	s17 =	simm.s32 $0x0  }
.LBB2_2:
0xd: {  	p0 =	sne.s32 s17, $0x630  }
.Ltmp0:
0xe: {  	_ = 	snop;
	(pc) =	sbr.rel @p0 .LBB2_2-.Ltmp0, $4  }
0xf: {  	_ = 	snop  }
0x10: {  	s18 =	sadd.s32 s17, s3;
	s15 =	simm.s32 $0x0  }
0x11: {  	[tilespmem:s16], [sflag:$0x1] =	stream.linear.gather [hbm4b:s18+s15], $0x80, $0x38;
	[tilespmem:$0x19000] =	vst v63  }
0x12: {  	s17 =	sadd.s32 $0x10, s17;
	s16 =	sadd.s32 $0x400, s16  }
0x13: {  	s16 =	simm.s32 $0x80;
	s17 =	simm.s32 $0x0  }
.LBB2_4:
0x14: {  	p0 =	sne.s32 s17, $0x630  }
.Ltmp1:
0x15: {  	_ = 	snop;
	(pc) =	sbr.rel @p0 .LBB2_4-.Ltmp1, $4  }
0x16: {  	_ = 	snop  }
0x17: {  	s18 =	sadd.s32 s17, s3  }
0x18: {  	[tilespmem:s16], [sflag:$0x1] =	stream.linear.gather [hbm4b:s18+s15], $0x80, $0x38;
	[tilespmem:$0x19000] =	vst v63  }
0x19: {  	s17 =	sadd.s32 $0x10, s17;
	s16 =	sadd.s32 $0x400, s16  }
0x1a: {  	s17 =	simm.s32 $0x100  }
.LBB2_6:
0x1b: {  	p0 =	sne.s32 s15, $0x630  }
.Ltmp2:
0x1c: {  	_ = 	snop;
	(pc) =	sbr.rel @p0 .LBB2_6-.Ltmp2, $4  }
0x1d: {  	_ = 	snop  }
0x1e: {  	s18 =	sadd.s32 s15, s3;
	s16 =	simm.s32 $0x0  }
0x1f: {  	[tilespmem:s17], [sflag:$0x1] =	stream.linear.gather [hbm4b:s18+s16], $0x80, $0x38;
	[tilespmem:$0x19000] =	vst v63  }
0x20: {  	s15 =	sadd.s32 $0x10, s15;
	s17 =	sadd.s32 $0x400, s17  }
0x21: {  	s15 =	simm.s32 $0x180;
	s17 =	simm.s32 $0x0  }
.LBB2_8:
0x22: {  	p0 =	sne.s32 s17, $0x630  }
.Ltmp3:
0x23: {  	_ = 	snop;
	(pc) =	sbr.rel @p0 .LBB2_8-.Ltmp3, $4  }
0x24: {  	_ = 	snop  }
0x25: {  	s18 =	sadd.s32 s17, s3  }
0x26: {  	[tilespmem:s15], [sflag:$0x1] =	stream.linear.gather [hbm4b:s18+s16], $0x80, $0x38;
	[tilespmem:$0x19000] =	vst v63  }
0x27: {  	s17 =	sadd.s32 $0x10, s17;
	s15 =	sadd.s32 $0x400, s15  }
0x28: {  	s17 =	simm.s32 $0x200  }
.LBB2_10:
0x29: {  	p0 =	sne.s32 s16, $0x630  }
.Ltmp4:
0x2a: {  	_ = 	snop;
	(pc) =	sbr.rel @p0 .LBB2_10-.Ltmp4, $4  }
0x2b: {  	_ = 	snop  }
0x2c: {  	s18 =	sadd.s32 s16, s3;
	s15 =	simm.s32 $0x0  }
0x2d: {  	[tilespmem:s17], [sflag:$0x1] =	stream.linear.gather [hbm4b:s18+s15], $0x80, $0x38;
	[tilespmem:$0x19000] =	vst v63  }
0x2e: {  	s16 =	sadd.s32 $0x10, s16;
	s17 =	sadd.s32 $0x400, s17  }
0x2f: {  	s16 =	simm.s32 $0x280;
	s17 =	simm.s32 $0x0  }
.LBB2_12:
0x30: {  	p0 =	sne.s32 s17, $0x630  }
.Ltmp5:
0x31: {  	_ = 	snop;
	(pc) =	sbr.rel @p0 .LBB2_12-.Ltmp5, $4  }
0x32: {  	_ = 	snop  }
0x33: {  	s18 =	sadd.s32 s17, s3  }
0x34: {  	[tilespmem:s16], [sflag:$0x1] =	stream.linear.gather [hbm4b:s18+s15], $0x80, $0x38;
	[tilespmem:$0x19000] =	vst v63  }
0x35: {  	s17 =	sadd.s32 $0x10, s17;
	s16 =	sadd.s32 $0x400, s16  }
0x36: {  	s16 =	simm.s32 $0x300  }
.LBB2_14:
0x37: {  	p0 =	sne.s32 s15, $0x630  }
.Ltmp6:
0x38: {  	_ = 	snop;
	(pc) =	sbr.rel @p0 .LBB2_14-.Ltmp6, $4  }
0x39: {  	_ = 	snop  }
0x3a: {  	s17 =	sadd.s32 s15, s3;
	s18 =	simm.s32 $0x0  }
0x3b: {  	[tilespmem:s16], [sflag:$0x1] =	stream.linear.gather [hbm4b:s17+s18], $0x80, $0x38;
	[tilespmem:$0x19000] =	vst v63  }
0x3c: {  	s15 =	sadd.s32 $0x10, s15;
	s16 =	sadd.s32 $0x400, s16  }
0x3d: {  	s15 =	simm.s32 $0x380  }
0x3e: {  	s16 =	simm.s32 $0x10;
	s18 =	sadd.s32 $0x0, s3;
	s17 =	simm.s32 $0x780  }
.LBB2_16:
0x3f: {  	[tilespmem:s15], [sflag:$0x1] =	stream.linear.gather [hbm4b:s18+s2], $0x80, $0x38;
	[tilespmem:$0x19000] =	vst v63  }
0x40: {  	s18 =	smov.u32 s16;
	s15 =	smov.u32 s17;
	p0 =	sne.s32 s16, $0x630  }
.Ltmp7:
0x41: {  	s16 =	sadd.s32 $0x10, s16;
	(pc) =	sbr.rel @p0 .LBB2_16-.Ltmp7, $2  }
0x42: {  	_ =	sdelay $0x2  }
0x43: {  	s17 =	sadd.s32 $0x400, s17;
	s18 =	sadd.s32 s18, s3  }
0x44: {  	[tilespmem:s15], [sflag:$0x1] =	stream.linear.gather [hbm4b:s18+s2], $0x80, $0x38;
	[tilespmem:$0x19000] =	vst v63  }
0x45: {  	_ =	swait.ge [sflag:s13], $0x3200  }
0x46: {  	[sflag:s13] =	ssyncset.done $0x0  }
0x47: {  	[sflag:s13] =	ssyncadd.s32 $0xFFFFCE00  }
0x48: {  	_ =	swait.ge [sflag:s13], $0x3200  }
0x49: {  	[sflag:s13] =	ssyncset.done $0x0  }
0x4a: {  	[sflag:s13] =	ssyncadd.s32 $0xFFFFCE00  }
0x4b: {  	_ =	swait.ge [sflag:s13], $0x3200  }
0x4c: {  	[sflag:s13] =	ssyncset.done $0x0  }
0x4d: {  	[sflag:s13] =	ssyncadd.s32 $0xFFFFCE00  }
0x4e: {  	_ =	swait.ge [sflag:s13], $0x3200  }
0x4f: {  	[sflag:s13] =	ssyncset.done $0x0  }
0x50: {  	[sflag:s13] =	ssyncadd.s32 $0xFFFFCE00  }
0x51: {  	_ =	swait.ge [sflag:s13], $0x3200  }
0x52: {  	[sflag:s13] =	ssyncset.done $0x0  }
0x53: {  	[sflag:s13] =	ssyncadd.s32 $0xFFFFCE00  }
0x54: {  	_ =	swait.ge [sflag:s13], $0x3200  }
0x55: {  	[sflag:s13] =	ssyncset.done $0x0  }
0x56: {  	[sflag:s13] =	ssyncadd.s32 $0xFFFFCE00  }
0x57: {  	_ =	swait.ge [sflag:s13], $0x3200  }
0x58: {  	[sflag:s13] =	ssyncset.done $0x0  }
0x59: {  	[sflag:s13] =	ssyncadd.s32 $0xFFFFCE00  }
0x5a: {  	_ =	swait.ge [sflag:s13], $0x3200  }
0x5b: {  	[sflag:s13] =	ssyncset.done $0x0  }
0x5c: {  	[sflag:s13] =	ssyncadd.s32 $0xFFFFCE00  }
0x5d: {  	[hbm4b:s4+s2] =	stream.linear.scatter [tilespmem:s2], [sflag:$0x1], $0x19000, $0x38;
	[tilespmem:$0x19000] =	vst v63  }
0x5e: {  	_ = 	snop  }
0x5f: {  	[hbm4b:s5+s2] =	stream.linear.scatter [tilespmem:s2], [sflag:$0x1], $0x19000, $0x38;
	[tilespmem:$0x19000] =	vst v63  }
0x60: {  	_ = 	snop  }
0x61: {  	[hbm4b:s6+s2] =	stream.linear.scatter [tilespmem:s2], [sflag:$0x1], $0x19000, $0x38;
	[tilespmem:$0x19000] =	vst v63  }
0x62: {  	_ = 	snop  }
0x63: {  	[hbm4b:s7+s2] =	stream.linear.scatter [tilespmem:s2], [sflag:$0x1], $0x19000, $0x38;
	[tilespmem:$0x19000] =	vst v63  }
0x64: {  	_ = 	snop  }
0x65: {  	[hbm4b:s8+s2] =	stream.linear.scatter [tilespmem:s2], [sflag:$0x1], $0x19000, $0x38;
	[tilespmem:$0x19000] =	vst v63  }
0x66: {  	_ = 	snop  }
0x67: {  	[hbm4b:s9+s2] =	stream.linear.scatter [tilespmem:s2], [sflag:$0x1], $0x19000, $0x38;
	[tilespmem:$0x19000] =	vst v63  }
0x68: {  	_ = 	snop  }
0x69: {  	[hbm4b:s10+s2] =	stream.linear.scatter [tilespmem:s2], [sflag:$0x1], $0x19000, $0x38;
	[tilespmem:$0x19000] =	vst v63  }
0x6a: {  	_ = 	snop  }
0x6b: {  	[hbm4b:s11+s2] =	stream.linear.scatter [tilespmem:s2], [sflag:$0x1], $0x19000, $0x38;
	[tilespmem:$0x19000] =	vst v63  }
0x6c: {  	_ =	swait.ge [sflag:s13], $0x19000  }
0x6d: {  	[sflag:s13] =	ssyncset.done $0x0  }
0x6e: {  	[sflag:s13] =	ssyncadd.s32 $0xFFFE7000  }
0x6f: {  	_ =	swait.ge [sflag:s13], $0x19000  }
0x70: {  	[sflag:s13] =	ssyncset.done $0x0  }
0x71: {  	[sflag:s13] =	ssyncadd.s32 $0xFFFE7000  }
0x72: {  	_ =	swait.ge [sflag:s13], $0x19000  }
0x73: {  	[sflag:s13] =	ssyncset.done $0x0  }
0x74: {  	[sflag:s13] =	ssyncadd.s32 $0xFFFE7000  }
0x75: {  	_ =	swait.ge [sflag:s13], $0x19000  }
0x76: {  	[sflag:s13] =	ssyncset.done $0x0  }
0x77: {  	[sflag:s13] =	ssyncadd.s32 $0xFFFE7000  }
0x78: {  	_ =	swait.ge [sflag:s13], $0x19000  }
0x79: {  	[sflag:s13] =	ssyncset.done $0x0  }
0x7a: {  	[sflag:s13] =	ssyncadd.s32 $0xFFFE7000  }
0x7b: {  	_ =	swait.ge [sflag:s13], $0x19000  }
0x7c: {  	[sflag:s13] =	ssyncset.done $0x0  }
0x7d: {  	s14 =	sadd.s32 $0x1, s14;
	[sflag:s13] =	ssyncadd.s32 $0xFFFE7000  }
0x7e: {  	p0 =	sne.s32 s14, s12;
	_ =	swait.ge [sflag:s13], $0x19000  }
.Ltmp8:
0x7f: {  	[sflag:s13] =	ssyncset.done $0x0;
	(pc) =	sbr.rel @p0 .LBB2_1-.Ltmp8, $4  }
0x80: {  	[sflag:s13] =	ssyncadd.s32 $0xFFFE7000  }
0x81: {  	_ =	swait.ge [sflag:s13], $0x19000  }
0x82: {  	[sflag:s13] =	ssyncset.done $0x0  }
0x83: {  	[sflag:s13] =	ssyncadd.s32 $0xFFFE7000  }
0x84: {  	_ =	sfence.sel $0x180000  }
0x85: {  	[bflag:$0x0] =	sbarrier.arrive $0xFFFF  }
0x86: {  	p0 =	sne.s32 s0, $0x0;
	_ =	strace $0x9000004A  }
0x87: {  	s0 =	sadd.s32 @!p0 $0x100000, s1;
	[bflag:$0x2] =	sbarrier.arrive $0xFFFF  }
0x88: {  	[sflag:s0] =	ssyncadd.tile.s32 @!p0 $0x1;
	_ =	shalt  }
.Lfunc_end2:
_tile_overlayer_lowered:
.L_overlay_start_2:
0x89: {  	(tag) =	ssettag $0x2  }
0x8a: {  	s0 =	rddreg [dreg:$0x0];
	s2 =	stileid.u32  }
0x8b: {  	s1 =	rddreg [dreg:$0x1];
	p0 =	sne.s32 s2, $0x0  }
0x8c: {  	s3 =	rddreg [dreg:$0x2];
	[bflag:$0x3] =	sbarrier.arrive $0xFFFF;
	s2 =	simm.s32 @!p0 $0x1C02  }
0x8d: {  	[timem:s3], [sflag:s2] =	dma.local @!p0 [hbm:s0], s1  }
0x8e: {  	s0 =	simm.s32 @!p0 $0x2  }
0x8f: {  	_ =	swait.ge @!p0 [sflag:s0], s1  }
0x90: {  	s1 =	ssub.s32 @!p0 $0x0, s1;
	[sflag:s0] =	ssyncset.done @!p0 $0x0  }
0x91: {  	[sflag:s0] =	ssyncadd.s32 @!p0 s1  }
0x92: {  	[bflag:$0x3] =	sbarrier.arrive $0xFFFF  }
0x93: {  	_ =	shalt  }

// kernel: kernel.8.cloned.1.call-start
scs
__scs_entry_jumppad:
0x0: {  	(pc) =	sbr.rel $0x88, $3  }
0x1: {  	(tag) =	ssettag $0x0;
	lr =	simm.s32 $0x1  }
0x2: {  	[smem:$0x3FA0] =	sst lr;
	_ =	strace $0xD0000000  }
0x3: {  	_ = 	snop  }
0x4: {  	_ = 	snop  }
0x5: {  	_ = 	snop  }
0x6: {  	_ = 	snop  }
0x7: {  	_ = 	snop  }
__scs_overlays_trampoline_lowered:
0x8: {  	[smem:$0x3FAF] =	sst s0  }
0x9: {  	[smem:$0x3FB0] =	sst s1  }
0xa: {  	[smem:$0x3FB1] =	sst s2  }
0xb: {  	[smem:$0x3FB2] =	sst s3  }
0xc: {  	[smem:$0x3FB3] =	sst s4  }
0xd: {  	[smem:$0x3FB4] =	sst s5  }
0xe: {  	[smem:$0x3FB5] =	sst s6  }
0xf: {  	[smem:$0x3FB6] =	sst s7  }
0x10: {  	[smem:$0x3FB7] =	sst s8  }
0x11: {  	[smem:$0x3FB8] =	sst s9;
	s0 =	simm.s32 @!p0 $0x0  }
0x12: {  	s1 =	sld [smem:$0x3F9E];
	s0 =	simm.s32 @p0 $0x1  }
0x13: {  	[smem:$0x3FB9] =	sst s0;
	s0 =	simm.s32 @!p1 $0x0  }
0x14: {  	s2 =	sld [smem:$0x3F9D];
	s0 =	simm.s32 @p1 $0x1  }
0x15: {  	[smem:$0x3FBA] =	sst s0;
	s0 =	simm.s32 @!p2 $0x0  }
0x16: {  	s3 =	sld [smem:$0x3FDB];
	s0 =	simm.s32 @p2 $0x1  }
0x17: {  	s4 =	simm.s32 $0x1BF5;
	[smem:$0x3FBC] =	sst s0  }
0x18: {  	s0 =	sld [smem:$0x3F9F];
	_ =	swait.ge [sflag:s4], $0x0  }
0x19: {  	s7 =	sld [smem:$0x3FA0]  }
0x1a: {  	s8 =	sadd.s32 $0xFFFFE003, lr  }
0x1b: {  	s9 =	sadd.s32 $0xFFFFFEF7, lr;
	s5 =	simm.s32 $0xFFFFFFFF;
	p2 =	slt.u32 s8, $0xFFFFF086  }
0x1c: {  	p1 =	slt.u32 s9, $0xF7A;
	s5 =	simm.s32 @!p2 $0x0  }
0x1d: {  	s5 =	simm.s32 @p1 $0x1;
	p0 =	seq.s32 s7, s2  }
0x1e: {  	s7 =	smul.u32 @!p0 $0xF7A, s2;
	p2 =	seq.s32 @!p0 s5, $0x0  }
0x1f: {  	s9 =	smul.u32 $0xF7A, s1;
	s8 =	simm.s32 @!p0 $0x1BF5;
	p2 =	por !p2, p0  }
0x20: {  	[sflag:s8] =	ssyncset.s32 @!p0 $0xFFFFF086;
	s6 =	sadd.s32 @!p0 s3, s7;
	s7 =	simm.s32 @!p0 $0x108  }
0x21: {  	s3 =	sadd.s32 s3, s9;
	s6 =	sadd.s32 @!p0 $0x88, s6;
	s7 =	simm.s32 @p2 $0x1082  }
0x22: {  	[simem:s7], [sflag:s8] =	dma.local @!p0 [hbm:s6], $0xF7A  }
0x23: {  	s9 =	sor.u32 $0xD0000000, s2;
	s6 =	simm.s32 $0x108;
	_ =	swait.ge @!p0 [sflag:s8], $0x0  }
0x24: {  	s3 =	sadd.s32 $0x88, s3;
	s6 =	simm.s32 @!p1 $0x1082;
	[sflag:s4] =	ssyncset.s32 $0xFFFFF086  }
0x25: {  	[simem:s6], [sflag:s4] =	dma.local [hbm:s3], $0xF7A  }
0x26: {  	[smem:$0x3FA0] =	sst s1;
	(tag) =	ssettag s2;
	_ =	strace s9  }
0x27: {  	s1 =	sld [smem:$0x3FB0]  }
0x28: {  	s2 =	sld [smem:$0x3FB1]  }
0x29: {  	s4 =	sld [smem:$0x3FB3]  }
0x2a: {  	p0 =	seq.s32 s5, $0x0;
	s5 =	sld [smem:$0x3FB4]  }
0x2b: {  	s6 =	sld [smem:$0x3FB5]  }
0x2c: {  	s7 =	sld [smem:$0x3FB6]  }
0x2d: {  	s3 =	simm.s32 $0x108;
	s8 =	sld [smem:$0x3FB7]  }
0x2e: {  	s3 =	simm.s32 @!p0 $0x1082;
	s9 =	sld [smem:$0x3FB8]  }
0x2f: {  	lr =	sadd.s32 s0, s3;
	s0 =	sld [smem:$0x3FAF]  }
0x30: {  	s3 =	sld [smem:$0x3FB2]  }
0x31: {  	[smem:$0x3FBB] =	sst s10  }
0x32: {  	s10 =	sld [smem:$0x3FB9];
	_ =	sdelay $0x3  }
0x33: {  	p0 =	seq.s32 s10, $0x1;
	s10 =	sld [smem:$0x3FBB];
	_ =	sdelay $0x3  }
0x34: {  	[smem:$0x3FBB] =	sst s10  }
0x35: {  	s10 =	sld [smem:$0x3FBA];
	_ =	sdelay $0x3  }
0x36: {  	p1 =	seq.s32 s10, $0x1;
	s10 =	sld [smem:$0x3FBB];
	_ =	sdelay $0x3  }
0x37: {  	[smem:$0x3FBB] =	sst s10  }
0x38: {  	s10 =	sld [smem:$0x3FBC]  }
0x39: {  	_ = 	snop;
	(pc) =	sbr.ind lr, $3  }
0x3a: {  	_ = 	snop  }
0x3b: {  	_ = 	snop  }
0x3c: {  	p2 =	seq.s32 s10, $0x1;
	s10 =	sld [smem:$0x3FBB]  }
0x3d: {  	_ =	shalt  }
0x3e: {  	_ =	shalt  }
0x3f: {  	_ =	shalt  }
0x40: {  	_ =	shalt  }
0x41: {  	_ =	shalt  }
0x42: {  	_ =	shalt  }
0x43: {  	_ =	shalt  }
0x44: {  	_ =	shalt  }
0x45: {  	_ =	shalt  }
0x46: {  	_ =	shalt  }
0x47: {  	_ =	shalt  }
0x48: {  	_ =	shalt  }
0x49: {  	_ =	shalt  }
0x4a: {  	_ =	shalt  }
0x4b: {  	_ =	shalt  }
0x4c: {  	_ =	shalt  }
0x4d: {  	_ =	shalt  }
0x4e: {  	_ =	shalt  }
0x4f: {  	_ =	shalt  }
0x50: {  	_ =	shalt  }
0x51: {  	_ =	shalt  }
0x52: {  	_ =	shalt  }
0x53: {  	_ =	shalt  }
0x54: {  	_ =	shalt  }
0x55: {  	_ =	shalt  }
0x56: {  	_ =	shalt  }
0x57: {  	_ =	shalt  }
0x58: {  	_ =	shalt  }
0x59: {  	_ =	shalt  }
0x5a: {  	_ =	shalt  }
0x5b: {  	_ =	shalt  }
0x5c: {  	_ =	shalt  }
0x5d: {  	_ =	shalt  }
0x5e: {  	_ =	shalt  }
0x5f: {  	_ =	shalt  }
0x60: {  	_ =	shalt  }
0x61: {  	_ =	shalt  }
0x62: {  	_ =	shalt  }
0x63: {  	_ =	shalt  }
0x64: {  	_ =	shalt  }
0x65: {  	_ =	shalt  }
0x66: {  	_ =	shalt  }
0x67: {  	_ =	shalt  }
0x68: {  	_ =	shalt  }
0x69: {  	_ =	shalt  }
0x6a: {  	_ =	shalt  }
0x6b: {  	_ =	shalt  }
0x6c: {  	_ =	shalt  }
0x6d: {  	_ =	shalt  }
0x6e: {  	_ =	shalt  }
0x6f: {  	_ =	shalt  }
0x70: {  	_ =	shalt  }
0x71: {  	_ =	shalt  }
0x72: {  	_ =	shalt  }
0x73: {  	_ =	shalt  }
0x74: {  	_ =	shalt  }
0x75: {  	_ =	shalt  }
0x76: {  	_ =	shalt  }
0x77: {  	_ =	shalt  }
0x78: {  	_ =	shalt  }
0x79: {  	_ =	shalt  }
0x7a: {  	_ =	shalt  }
0x7b: {  	_ =	shalt  }
0x7c: {  	_ =	shalt  }
0x7d: {  	_ =	shalt  }
0x7e: {  	_ =	shalt  }
0x7f: {  	_ =	shalt  }
0x80: {  	_ =	shalt  }
0x81: {  	_ =	shalt  }
0x82: {  	_ =	shalt  }
0x83: {  	_ =	shalt  }
0x84: {  	_ =	shalt  }
0x85: {  	_ =	shalt  }
0x86: {  	_ =	shalt  }
0x87: {  	_ =	shalt  }
.Lfunc_end0:
.L_simem_size_0:
called_computation.1_lowered:
.L_overlay_start_0:
0x88: {  	s2 =	sld [smem:$0x3FD9]  }
0x89: {  	s3 =	sld [smem:$0x3FFE];
	_ =	sdelay $0x1  }
0x8a: {  	s1 =	srdreg.scid  }
0x8b: {  	s0 =	sand.u32 $0x1, s1  }
0x8c: {  	s17 =	sshll.u32 s0, $0xA;
	s2 =	sadd.s32 s3, s2  }
0x8d: {  	s2 =	sadd.s32 s2, s17  }
0x8e: {  	[smem:$0x3FC7] =	sst s2  }
0x8f: {  	_ = 	snop  }
0x90: {  	s2 =	sld [smem:$0x3FD0];
	(tm) =	ssettm $0x1  }
0x91: {  	s18 =	sld [smem:$0x3FFB];
	_ =	sdelay $0x3  }
0x92: {  	_ =	strace s18  }
0x93: {  	s3 =	sld [smem:$0x3FFC];
	_ =	sdelay $0x3  }
0x94: {  	_ =	strace s3  }
0x95: {  	s3 =	sld [smem:$0x3FFD];
	_ =	sdelay $0x3  }
0x96: {  	_ =	strace s3  }
0x97: {  	_ =	strace $0x8FFFFFFF  }
0x98: {  	s19 =	sld [smem:$0x3FDB];
	_ =	sdelay $0x1  }
0x99: {  	s4 =	simm.s32 $_scs_section_size  }
0x9a: {  	s5 =	simm.s32 $_size__tile_overlayer_lowered;
	s6 =	simm.s32 $_tile_overlayer_lowered  }
0x9b: {  	s22 =	simm.s32 $0x1BFF;
	s21 =	sshll.u32 s6, $0x1;
	s3 =	sadd.s32 s4, s19  }
0x9c: {  	s7 =	simm.s32 $0x0;
	s20 =	sshll.u32 s5, $0x1;
	s5 =	sadd.s32 s21, s3  }
0x9d: {  	[timem:s7], [sflag:s22] =	dma.local [hbm:s5], s20  }
0x9e: {  	_ =	swait.ge [sflag:s22], s20  }
0x9f: {  	s4 =	ssub.s32 $0x0, s20;
	[sflag:s22] =	ssyncset.done $0x0  }
0xa0: {  	[sflag:s22] =	ssyncadd.s32 s4;
	_ =	sdelay $0x1  }
0xa1: {  	s23 =	simm.s32 $0x1B8B  }
0xa2: {  	_ =	swait.ge [sflag:s23], $0x1  }
0xa3: {  	[sflag:s23] =	ssyncset.done $0x0  }
0xa4: {  	s25 =	simm.s32 $0x1B8E;
	s24 =	sld [smem:$0x3FFE];
	[sflag:s23] =	ssyncadd.s32 $0xFFFFFFFF  }
0xa5: {  	s26 =	simm.s32 $execute0_lowered;
	[smem:$0x3FD2] =	sst s25  }
0xa6: {  	s5 =	sshll.u32 s26, $0x1;
	_ =	strace $0x80000046;
	[dreg:$0x1] =	wrdreg $0xFFFFFFFF  }
0xa7: {  	s28 =	simm.s32 $_size_execute0_lowered;
	s3 =	sadd.s32 s3, s5;
	[dreg:$0x0] =	wrdreg $0x0  }
0xa8: {  	s5 =	sshll.u32 s28, $0x1;
	[dreg:$0x2] =	wrdreg s3  }
0xa9: {  	[dreg:$0x3] =	wrdreg s5  }
0xaa: {  	[dreg:$0x4] =	wrdreg $0xC0  }
0xab: {  	_ =	task [dreg:s7], $0x5FFFF  }
0xac: {  	[dreg:$0x1] =	wrdreg $0xFFFFFFFF  }
0xad: {  	[dreg:$0x0] =	wrdreg $0x60  }
0xae: {  	[dreg:$0x2] =	wrdreg s24  }
0xaf: {  	[dreg:$0x3] =	wrdreg s2  }
0xb0: {  	[dreg:$0x4] =	wrdreg $0xA  }
0xb1: {  	_ =	task.clear_ibuf [dreg:s7], $0x5FFFF;
	_ =	strace $0x90000046  }
0xb2: {  	s29 =	simm.s32 $0xA;
	_ =	strace $0x80000048  }
0xb3: {  	_ =	swait.ge [sflag:s29], $0x1  }
0xb4: {  	[sflag:s29] =	ssyncadd.s32 $0xFFFFFFFF  }
0xb5: {  	_ =	strace $0x90000048  }
0xb6: {  	_ =	sfence  }
0xb7: {  	s30 =	sld [smem:$0x0];
	_ =	sdelay $0x2  }
0xb8: {  	s31 =	sshll.u32 s1, $0xD;
	s1 =	sshrl.u32 s1, $0x2  }
0xb9: {  	s3 =	sand.u32 $0x4000, s31;
	s1 =	sadd.s32 s1, s30  }
0xba: {  	s0 =	sor.u32 s3, s0;
	s1 =	sshll.u32 s1, $0x11  }
0xbb: {  	s0 =	sor.u32 s1, s0  }
0xbc: {  	s0 =	sadd.s32 $0x8F2B, s0  }
0xbd: {  	[sflag:s0] =	ssyncadd.remote.s32 $0x1  }
0xbe: {  	_ =	sfence.sel $0xFFFF  }
0xbf: {  	[dreg:$0x0] =	wrdreg $0xFFFFFFFF;
	(pc) =	sbr.abs _section_cstart, $3  }
0xc0: {  	[dreg:$0x1] =	wrdreg $0xFFFFFFFF  }
0xc1: {  	_ =	task.clear_ibuf [dreg:s7], $0x2FFFF;
	_ =	strace $0x9FFFFFFF  }
0xc2: {  	(tm) =	ssettm $0x7FFFFFFF  }
0xc3: {  	_ =	shalt  }
tec
execute0_lowered:
.L_overlay_start_1:
0x0: {  	(tag) =	ssettag $0x1  }
0x1: {  	s1 =	srdreg.scid;
	s0 =	stileid.u32  }
0x2: {  	s3 =	rddreg [dreg:$0x0];
	s4 =	sand.u32 $0x1, s1;
	s30 =	sshll.u32 s0, $0x1  }
0x3: {  	s5 =	rddreg [dreg:$0x1];
	s2 =	simm.s32 $0x0;
	s6 =	sor.u32 s4, s30  }
0x4: {  	s1 =	rddreg [dreg:$0x2];
	s7 =	ssub.s32 $0x2, s4;
	s6 =	smul.u32 $0x32, s6  }
0x5: {  	[smem:$0x7FF] =	sst s2;
	s8 =	sshrl.u32 s7, $0x1  }
0x6: {  	_ =	strace $0x80000047;
	s7 =	ssub.s32 s7, s8;
	s3 =	sadd.s32 s6, s3  }
0x7: {  	s31 =	smax.u32 s7, $0x1;
	s4 =	sadd.s32 $0x800, s3;
	s3 =	simm.s32 $0x1  }
0x8: {  	[tilespmem:s2], [sflag:$0x1] =	stream.linear.gather [hbm4b:s4+s2], $0x190, $0x38;
	[tilespmem:$0x200] =	vst v63  }
0x9: {  	p0 =	sne.s32 s31, $0x1;
	_ =	swait.ge [sflag:s3], $0x190  }
.Ltmp0:
0xa: {  	[sflag:s3] =	ssyncset.done $0x0;
	(pc) =	sbr.rel @!p0 .LBB2_2-.Ltmp0, $4  }
0xb: {  	s5 =	sadd.s32 s5, s6;
	[sflag:s3] =	ssyncadd.s32 $0xFFFFFE70  }
0xc: {  	[hbm4b:s5+s2] =	stream.linear.scatter [tilespmem:s2], [sflag:$0x1], $0x190, $0x38;
	[tilespmem:$0x200] =	vst v63  }
0xd: {  	_ =	swait.ge [sflag:s3], $0x190  }
0xe: {  	s6 =	sadd.s32 $0xFFFFFFFF, s31;
	[sflag:s3] =	ssyncset.done $0x0  }
.LBB2_1:
0xf: {  	p0 =	sne.s32 s6, $0x1;
	s6 =	sadd.s32 $0xFFFFFFFF, s6;
	[sflag:s3] =	ssyncadd.s32 $0xFFFFFE70  }
0x10: {  	[tilespmem:s2], [sflag:$0x1] =	stream.linear.gather [hbm4b:s4+s2], $0x190, $0x38;
	[tilespmem:$0x200] =	vst v63  }
0x11: {  	_ =	swait.ge [sflag:s3], $0x190  }
.Ltmp1:
0x12: {  	[sflag:s3] =	ssyncset.done $0x0;
	(pc) =	sbr.rel @p0 .LBB2_1-.Ltmp1, $4  }
0x13: {  	[sflag:s3] =	ssyncadd.s32 $0xFFFFFE70  }
0x14: {  	[hbm4b:s5+s2] =	stream.linear.scatter [tilespmem:s2], [sflag:$0x1], $0x190, $0x38;
	[tilespmem:$0x200] =	vst v63  }
0x15: {  	_ =	swait.ge [sflag:s3], $0x190  }
0x16: {  	[sflag:s3] =	ssyncset.done $0x0  }
.LBB2_2:
0x17: {  	[sflag:s3] =	ssyncadd.s32 $0xFFFFFE70  }
0x18: {  	_ =	sfence.sel $0x180000  }
0x19: {  	[bflag:$0x0] =	sbarrier.arrive $0xFFFF  }
0x1a: {  	p0 =	sne.s32 s0, $0x0;
	_ =	strace $0x90000047  }
0x1b: {  	s0 =	sadd.s32 @!p0 $0x100000, s1;
	[bflag:$0x2] =	sbarrier.arrive $0xFFFF  }
0x1c: {  	[sflag:s0] =	ssyncadd.tile.s32 @!p0 $0x1;
	_ =	shalt  }
.Lfunc_end2:
_tile_overlayer_lowered:
.L_overlay_start_2:
0x1d: {  	(tag) =	ssettag $0x2  }
0x1e: {  	s0 =	rddreg [dreg:$0x0];
	s2 =	stileid.u32  }
0x1f: {  	s1 =	rddreg [dreg:$0x1];
	p0 =	sne.s32 s2, $0x0  }
0x20: {  	s3 =	rddreg [dreg:$0x2];
	[bflag:$0x3] =	sbarrier.arrive $0xFFFF;
	s2 =	simm.s32 @!p0 $0x1C02  }
0x21: {  	[timem:s3], [sflag:s2] =	dma.local @!p0 [hbm:s0], s1  }
0x22: {  	s0 =	simm.s32 @!p0 $0x2  }
0x23: {  	_ =	swait.ge @!p0 [sflag:s0], s1  }
0x24: {  	s1 =	ssub.s32 @!p0 $0x0, s1;
	[sflag:s0] =	ssyncset.done @!p0 $0x0  }
0x25: {  	[sflag:s0] =	ssyncadd.s32 @!p0 s1  }
0x26: {  	[bflag:$0x3] =	sbarrier.arrive $0xFFFF  }
0x27: {  	_ =	shalt  }

</sc_bundles>
